<compile_context>
chip_gen: v7x
topology: tpu7x:2x2x1
jax: 0.10.2.dev20260603
libtpu: 0.0.44.dev20260713+nightly
codegen_flags: <defaults>
</compile_context>

<pallas_src>
import functools

import jax
import jax.numpy as jnp
from jax import lax
from jax.experimental import pallas as pl
from jax.experimental.pallas import tpu as pltpu
from jax.experimental.pallas import tpu_sc as plsc

N_NODES = 10000
DIM = 128
N_EDGES = 320000

NC = 2
NS = 16
NW = NC * NS
CHUNK = 128

NPAD = 10240
EPAD = 327680
EPW = EPAD // NW
NCH = EPW // CHUNK
RPW = NPAD // NS
DEGW = 16

_f32 = jnp.float32


DNB = 4


def _deg_body(dst_hbm, degp_hbm, deg_sh, zbuf, ones, *scr):
    didx = list(scr[0:DNB])
    isem = list(scr[DNB:2 * DNB])
    ssem = list(scr[2 * DNB:3 * DNB])

    cid = lax.axis_index("c")
    sid = lax.axis_index("s")
    wid = cid * NS + sid

    lanes = lax.iota(jnp.int32, 16)
    one_row = jnp.where(lanes == 0, 1.0, 0.0)
    zero_row = jnp.zeros((16,), _f32)

    def fill(i, _):
        zbuf[i, :] = zero_row
        ones[i, :] = one_row
        return 0

    lax.fori_loop(0, CHUNK, fill, 0)

    for j in range(RPW // CHUNK):
        pltpu.sync_copy(zbuf, deg_sh.at[pl.ds(sid * RPW + j * CHUNK, CHUNK)])
    plsc.subcore_barrier()

    base = wid * EPW

    def step(g0, _):
        e0 = base + g0 * (DNB * CHUNK)
        idesc = []
        for k in range(DNB):
            idesc.append(pltpu.async_copy(
                dst_hbm.at[pl.ds(e0 + k * CHUNK, CHUNK)], didx[k], isem[k]))
        prev = None
        for k in range(DNB):
            idesc[k].wait()
            if prev is not None:
                prev.wait()
            prev = pltpu.async_copy(ones, deg_sh.at[didx[k]], ssem[k],
                                    add=True)
        prev.wait()
        return 0

    lax.fori_loop(0, NCH // DNB, step, 0)
    plsc.subcore_barrier()

    for j in range(RPW // CHUNK):
        r0 = sid * RPW + j * CHUNK
        pltpu.sync_copy(deg_sh.at[pl.ds(r0, CHUNK)],
                        degp_hbm.at[cid, pl.ds(r0, CHUNK)])


_deg_kernel = functools.partial(
    pl.kernel,
    out_type=jax.ShapeDtypeStruct((NC, NPAD, DEGW), _f32),
    mesh=plsc.VectorSubcoreMesh(core_axis_name="c", subcore_axis_name="s"),
    scratch_types=[
        pltpu.VMEM_SHARED((NPAD, DEGW), _f32),
        pltpu.VMEM((CHUNK, DEGW), _f32),
        pltpu.VMEM((CHUNK, DEGW), _f32),
        *[pltpu.VMEM((CHUNK,), jnp.int32) for _ in range(DNB)],
        *[pltpu.SemaphoreType.DMA for _ in range(2 * DNB)],
    ],
)(_deg_body)


HDIM = DIM // 2
SCH = 64
NBUF = 5
EPS = EPAD // NS
SNCH = EPS // SCH


def _scat_body(ysp_hbm, src_hbm, dst_hbm, acc_hbm, y_sh, acc_sh, *scr):
    rows = list(scr[0:NBUF])
    sidx = list(scr[NBUF:2 * NBUF])
    didx = list(scr[2 * NBUF:3 * NBUF])
    sems = list(scr[3 * NBUF:])
    is_ = sems[0:NBUF]
    id_ = sems[NBUF:2 * NBUF]
    gs = sems[2 * NBUF:3 * NBUF]
    ss = sems[3 * NBUF:4 * NBUF]

    cid = lax.axis_index("c")
    sid = lax.axis_index("s")

    pltpu.sync_copy(ysp_hbm.at[cid, pl.ds(sid * RPW, RPW)],
                    y_sh.at[pl.ds(sid * RPW, RPW)])

    zero_row = jnp.zeros((16,), _f32)

    def fill(i, _):
        for j in range(HDIM // 16):
            rows[0][i, pl.ds(j * 16, 16)] = zero_row
        return 0

    lax.fori_loop(0, SCH, fill, 0)

    for j in range(RPW // SCH):
        pltpu.sync_copy(rows[0], acc_sh.at[pl.ds(sid * RPW + j * SCH, SCH)])
    plsc.subcore_barrier()

    base = sid * EPS

    def step(g0, _):
        e0 = base + g0 * (NBUF * SCH)
        idesc = []
        for k in range(NBUF):
            ik = pltpu.async_copy(
                src_hbm.at[pl.ds(e0 + k * SCH, SCH)], sidx[k], is_[k])
            jk = pltpu.async_copy(
                dst_hbm.at[pl.ds(e0 + k * SCH, SCH)], didx[k], id_[k])
            idesc.append((ik, jk))
        gdesc = []
        for k in range(NBUF):
            idesc[k][0].wait()
            gdesc.append(pltpu.async_copy(y_sh.at[sidx[k]], rows[k],
                                          gs[k]))
        prev = None
        for k in range(NBUF):
            gdesc[k].wait()
            idesc[k][1].wait()
            if prev is not None:
                prev.wait()
            prev = pltpu.async_copy(rows[k], acc_sh.at[didx[k]], ss[k],
                                    add=True)
        prev.wait()
        return 0

    lax.fori_loop(0, SNCH // NBUF, step, 0)
    plsc.subcore_barrier()

    for j in range(RPW // SCH):
        r0 = sid * RPW + j * SCH
        pltpu.sync_copy(acc_sh.at[pl.ds(r0, SCH)],
                        acc_hbm.at[cid, pl.ds(r0, SCH)])


_scat_kernel = functools.partial(
    pl.kernel,
    out_type=jax.ShapeDtypeStruct((NC, NPAD, HDIM), _f32),
    mesh=plsc.VectorSubcoreMesh(core_axis_name="c", subcore_axis_name="s"),
    scratch_types=[
        pltpu.VMEM_SHARED((NPAD, HDIM), _f32),
        pltpu.VMEM_SHARED((NPAD, HDIM), _f32),
        *[pltpu.VMEM((SCH, HDIM), _f32) for _ in range(NBUF)],
        *[pltpu.VMEM((SCH,), jnp.int32) for _ in range(2 * NBUF)],
        *[pltpu.SemaphoreType.DMA for _ in range(4 * NBUF)],
    ],
)(_scat_body)


def _lin_body(x_ref, w_ref, degp_ref, y_ref):
    degp = degp_ref[...]
    deg = 1.0 + degp[0, :, 0:1] + degp[1, :, 0:1]
    dis = lax.rsqrt(deg)
    y = jnp.dot(x_ref[...], w_ref[...], preferred_element_type=_f32) * dis
    y_ref[0] = y[:, :HDIM]
    y_ref[1] = y[:, HDIM:]


ROWS_BLK = 512
GRID = NPAD // ROWS_BLK

_lin_kernel = pl.pallas_call(
    _lin_body,
    grid=(GRID,),
    in_specs=[
        pl.BlockSpec((ROWS_BLK, DIM), lambda i: (i, 0)),
        pl.BlockSpec((DIM, DIM), lambda i: (0, 0)),
        pl.BlockSpec((NC, ROWS_BLK, DEGW), lambda i: (0, i, 0)),
    ],
    out_specs=pl.BlockSpec((2, ROWS_BLK, HDIM), lambda i: (0, i, 0)),
    out_shape=jax.ShapeDtypeStruct((2, NPAD, HDIM), _f32),
)


def _fin_body(acc_ref, y_ref, degp_ref, b_ref, pw_ref, out_ref):
    degp = degp_ref[...]
    deg = 1.0 + degp[0, :, 0:1] + degp[1, :, 0:1]
    dis = lax.rsqrt(deg)
    acc = acc_ref[...]
    y = y_ref[...]
    tot = jnp.concatenate([acc[0] + y[0], acc[1] + y[1]], axis=1)
    s = dis * tot + b_ref[...]
    out_ref[...] = jnp.where(s > 0, s, pw_ref[...] * s)


_fin_kernel = pl.pallas_call(
    _fin_body,
    grid=(GRID,),
    in_specs=[
        pl.BlockSpec((NC, ROWS_BLK, HDIM), lambda i: (0, i, 0)),
        pl.BlockSpec((2, ROWS_BLK, HDIM), lambda i: (0, i, 0)),
        pl.BlockSpec((NC, ROWS_BLK, DEGW), lambda i: (0, i, 0)),
        pl.BlockSpec((1, DIM), lambda i: (0, 0)),
        pl.BlockSpec((1, DIM), lambda i: (0, 0)),
    ],
    out_specs=pl.BlockSpec((ROWS_BLK, DIM), lambda i: (i, 0)),
    out_shape=jax.ShapeDtypeStruct((NPAD, DIM), _f32),
)


def kernel(x, edge_index, W, b, prelu_w):
    src = edge_index[0].astype(jnp.int32)
    dst = edge_index[1].astype(jnp.int32)
    pad_e = EPAD - N_EDGES
    fill = jnp.full((pad_e,), N_NODES, jnp.int32)
    src = jnp.concatenate([src, fill])
    dst = jnp.concatenate([dst, fill])
    x_pad = jnp.pad(x, ((0, NPAD - N_NODES), (0, 0)))

    degp = _deg_kernel(dst)
    ysp = _lin_kernel(x_pad, W, degp)
    acc = _scat_kernel(ysp, src, dst)
    out = _fin_kernel(acc, ysp, degp,
                      b.reshape(1, DIM), prelu_w.reshape(1, DIM))
    return out[:N_NODES]

# --- scband reference (transcript-rebuilt; emitter-appended) ---
"""Pipeline reference for scband-gcnencoder-82162724372661 (READ-ONLY COPY).

The authoritative reference and input builder live on the scoring server;
editing this copy changes nothing except your own understanding.
"""

import jax, jax.numpy as jnp
import numpy as np

N_NODES = 10000
IN_DIM = 128
OUT_DIM = 128
N_EDGES = 320000


def setup_inputs(seed: int = 0) -> dict:
    key = jax.random.key(seed)
    k1, k2, k3, k4 = jax.random.split(key, 4)
    x = jax.random.normal(k1, (N_NODES, IN_DIM), dtype=jnp.float32)
    edge_index = jax.random.randint(k2, (2, N_EDGES), 0, N_NODES, dtype=jnp.int64)
    # GCNConv linear weight (glorot-like init) and bias
    W = jax.random.normal(k3, (IN_DIM, OUT_DIM), dtype=jnp.float32) * (1.0 / np.sqrt(IN_DIM))
    b = jnp.zeros((OUT_DIM,), dtype=jnp.float32)
    # PReLU per-channel weight, torch default init 0.25
    prelu_w = jnp.full((OUT_DIM,), 0.25, dtype=jnp.float32)
    return {"x": x, "edge_index": edge_index, "W": W, "b": b, "prelu_w": prelu_w}


def reference(x, edge_index, W, b, prelu_w):
    N = x.shape[0]
    # linear transform
    xw = x @ W
    # add self loops
    loop = jnp.arange(N, dtype=edge_index.dtype)
    src = jnp.concatenate([edge_index[0], loop])
    dst = jnp.concatenate([edge_index[1], loop])
    # symmetric normalization: deg computed on destination nodes
    ones = jnp.ones(src.shape[0], dtype=xw.dtype)
    deg = jax.ops.segment_sum(ones, dst, num_segments=N)
    deg_inv_sqrt = jnp.where(deg > 0, deg ** -0.5, 0.0)
    norm = deg_inv_sqrt[src] * deg_inv_sqrt[dst]
    # gather messages from source nodes, scale, scatter-add to destinations
    msgs = xw[src] * norm[:, None]
    out = jnp.zeros((N, xw.shape[1]), dtype=xw.dtype).at[dst].add(msgs)
    out = out + b
    # PReLU with per-channel weights
    z = jnp.where(out > 0, out, prelu_w[None, :] * out)
    return z

if __name__ == "__main__":
    import jax
    _d = setup_inputs()
    print(jax.jit(kernel)(*tuple(_d.values())))

</pallas_src>

<mosaic_0001>
#map = affine_map<(d0, d1) -> (0)>
#map1 = affine_map<(d0, d1) -> (0, 0, 0)>
module attributes {stable_mosaic.version = 14 : i64} {
  func.func @_deg_body(%arg0: i32, %arg1: i32, %arg2: memref<327680xi32, #tpu.memory_space<hbm>>, %arg3: memref<2x10240x16xf32, #tpu.memory_space<hbm>>, %arg4: memref<10240x16xf32, #tpu.memory_space<vmem_shared>>, %arg5: memref<128x16xf32, #tpu.memory_space<vmem>>, %arg6: memref<128x16xf32, #tpu.memory_space<vmem>>, %arg7: memref<128xi32, #tpu.memory_space<vmem>>, %arg8: memref<128xi32, #tpu.memory_space<vmem>>, %arg9: memref<128xi32, #tpu.memory_space<vmem>>, %arg10: memref<128xi32, #tpu.memory_space<vmem>>, %arg11: memref<!tpu.dma_semaphore, #tpu.memory_space<semaphore_mem>>, %arg12: memref<!tpu.dma_semaphore, #tpu.memory_space<semaphore_mem>>, %arg13: memref<!tpu.dma_semaphore, #tpu.memory_space<semaphore_mem>>, %arg14: memref<!tpu.dma_semaphore, #tpu.memory_space<semaphore_mem>>, %arg15: memref<!tpu.dma_semaphore, #tpu.memory_space<semaphore_mem>>, %arg16: memref<!tpu.dma_semaphore, #tpu.memory_space<semaphore_mem>>, %arg17: memref<!tpu.dma_semaphore, #tpu.memory_space<semaphore_mem>>, %arg18: memref<!tpu.dma_semaphore, #tpu.memory_space<semaphore_mem>>) attributes {dimension_semantics = [#tpu.dimension_semantics<core_parallel>, #tpu.dimension_semantics<subcore_parallel>], iteration_bounds = array<i64: 2, 16>, scalar_prefetch = 0 : i64, scratch_operands = 15 : i64, tpu.core_type = #tpu.core_type<sc_vector_subcore>, window_params = [{transform_indices = #map}, {transform_indices = #map1}]} {
    %mul3A = arith.constant 16 : i32
    %mul3A_0 = arith.muli %arg0, %mul3A : i32
    %add3A = arith.addi %mul3A_0, %arg1 : i32
    %iota3A = tpu.iota {dimensions = array<i32: 0>} : vector<16xi32>
    %eq3A = arith.constant 0 : i32
    %eq3A_1 = vector.broadcast %eq3A : i32 to vector<16xi32>
    %eq3A_2 = arith.cmpi eq, %iota3A, %eq3A_1 : vector<16xi32>
    %jit3A = arith.constant 1.000000e+00 : f32
    %jit3A_3 = arith.constant 0.000000e+00 : f32
    %broadcast_in_dim3A = vector.broadcast %jit3A : f32 to vector<16xf32>
    %broadcast_in_dim3A_4 = vector.broadcast %jit3A_3 : f32 to vector<16xf32>
    %select_n3A = arith.select %eq3A_2, %broadcast_in_dim3A, %broadcast_in_dim3A_4 : vector<16xi1>, vector<16xf32>
    %broadcast_in_dim3A_5 = arith.constant 0.000000e+00 : f32
    %broadcast_in_dim3A_6 = vector.broadcast %broadcast_in_dim3A_5 : f32 to vector<16xf32>
    %scan3A = arith.constant 0 : i32
    %scan3A_7 = arith.constant 0 : i32
    %scan3A_8 = arith.constant 128 : i32
    %scan3A_9 = arith.addi %scan3A_7, %scan3A_8 : i32
    %scan3A_10 = arith.constant 1 : i32
    %scan3A_11 = scf.for %scan3A_63 = %scan3A_7 to %scan3A_9 step %scan3A_10 iter_args(%scan3A_64 = %scan3A) -> (i32)  : i32 {
      %swap3A = arith.index_cast %scan3A_63 : i32 to index
      %swap3A_65 = arith.constant 0 : index
      %swap3A_66 = tpu.vector_load %arg5[%swap3A, %swap3A_65] {strides = array<i32>} : memref<128x16xf32, #tpu.memory_space<vmem>>, vector<1x16xf32>,
      %swap3A_67 = vector.shape_cast %swap3A_66 : vector<1x16xf32> to vector<16xf32>
      %swap3A_68 = vector.shape_cast %broadcast_in_dim3A_6 : vector<16xf32> to vector<1x16xf32>
      tpu.vector_store %arg5[%swap3A, %swap3A_65], %swap3A_68 {strides = array<i32>} : memref<128x16xf32, #tpu.memory_space<vmem>>, vector<1x16xf32>,
      %swap3A_69 = arith.index_cast %scan3A_63 : i32 to index
      %swap3A_70 = arith.constant 0 : index
      %swap3A_71 = tpu.vector_load %arg6[%swap3A_69, %swap3A_70] {strides = array<i32>} : memref<128x16xf32, #tpu.memory_space<vmem>>, vector<1x16xf32>,
      %swap3A_72 = vector.shape_cast %swap3A_71 : vector<1x16xf32> to vector<16xf32>
      %swap3A_73 = vector.shape_cast %select_n3A : vector<16xf32> to vector<1x16xf32>
      tpu.vector_store %arg6[%swap3A_69, %swap3A_70], %swap3A_73 {strides = array<i32>} : memref<128x16xf32, #tpu.memory_space<vmem>>, vector<1x16xf32>,
      %scan3A_74 = arith.constant 0 : i32
      scf.yield %scan3A_74 : i32
    }
    %scan3A_12 = arith.constant 128 : i32
    %mul3A_13 = arith.constant 640 : i32
    %mul3A_14 = arith.muli %arg1, %mul3A_13 : i32
    %add3A_15 = arith.constant 0 : i32
    %add3A_16 = arith.addi %mul3A_14, %add3A_15 : i32
    "tpu.region"() ({
      %run_scoped3A = tpu.sem_alloc : memref<!tpu.dma_semaphore, #tpu.memory_space<semaphore_mem>>
      %dma_start3A = arith.constant 0 : i32
      %dma_start3A_63 = tpu.memref_slice %arg4[%add3A_16, %dma_start3A] : memref<10240x16xf32, #tpu.memory_space<vmem_shared>> -> memref<128x16xf32, #tpu.memory_space<vmem_shared>>
      %dma_start3A_64 = arith.constant 0 : i32
      %dma_start3A_65 = tpu.memref_slice %arg4[%add3A_16, %dma_start3A_64] : memref<10240x16xf32, #tpu.memory_space<vmem_shared>> -> memref<128x16xf32, #tpu.memory_space<vmem_shared>>
      tpu.enqueue_dma source(%arg5 : memref<128x16xf32, #tpu.memory_space<vmem>>) target(%dma_start3A_65 : memref<128x16xf32, #tpu.memory_space<vmem_shared>>) target_semaphore(%run_scoped3A : memref<!tpu.dma_semaphore, #tpu.memory_space<semaphore_mem>>)
      %dma_wait3A = arith.constant 0 : i32
      %dma_wait3A_66 = tpu.memref_slice %arg4[%add3A_16, %dma_wait3A] : memref<10240x16xf32, #tpu.memory_space<vmem_shared>> -> memref<128x16xf32, #tpu.memory_space<vmem_shared>>
      %dma_wait3A_67 = arith.constant 0 : i32
      %dma_wait3A_68 = tpu.memref_slice %arg4[%add3A_16, %dma_wait3A_67] : memref<10240x16xf32, #tpu.memory_space<vmem_shared>> -> memref<128x16xf32, #tpu.memory_space<vmem_shared>>
      tpu.wait_dma2 semaphore(%run_scoped3A : memref<!tpu.dma_semaphore, #tpu.memory_space<semaphore_mem>>) src(%arg5 : memref<128x16xf32, #tpu.memory_space<vmem>>) dst(%dma_wait3A_68 : memref<128x16xf32, #tpu.memory_space<vmem_shared>>)
      tpu.yield
    }) : () -> ()
    %mul3A_17 = arith.constant 640 : i32
    %mul3A_18 = arith.muli %arg1, %mul3A_17 : i32
    %add3A_19 = arith.constant 128 : i32
    %add3A_20 = arith.addi %mul3A_18, %add3A_19 : i32
    "tpu.region"() ({
      %run_scoped3A = tpu.sem_alloc : memref<!tpu.dma_semaphore, #tpu.memory_space<semaphore_mem>>
      %dma_start3A = arith.constant 0 : i32
      %dma_start3A_63 = tpu.memref_slice %arg4[%add3A_20, %dma_start3A] : memref<10240x16xf32, #tpu.memory_space<vmem_shared>> -> memref<128x16xf32, #tpu.memory_space<vmem_shared>>
      %dma_start3A_64 = arith.constant 0 : i32
      %dma_start3A_65 = tpu.memref_slice %arg4[%add3A_20, %dma_start3A_64] : memref<10240x16xf32, #tpu.memory_space<vmem_shared>> -> memref<128x16xf32, #tpu.memory_space<vmem_shared>>
      tpu.enqueue_dma source(%arg5 : memref<128x16xf32, #tpu.memory_space<vmem>>) target(%dma_start3A_65 : memref<128x16xf32, #tpu.memory_space<vmem_shared>>) target_semaphore(%run_scoped3A : memref<!tpu.dma_semaphore, #tpu.memory_space<semaphore_mem>>)
      %dma_wait3A = arith.constant 0 : i32
      %dma_wait3A_66 = tpu.memref_slice %arg4[%add3A_20, %dma_wait3A] : memref<10240x16xf32, #tpu.memory_space<vmem_shared>> -> memref<128x16xf32, #tpu.memory_space<vmem_shared>>
      %dma_wait3A_67 = arith.constant 0 : i32
      %dma_wait3A_68 = tpu.memref_slice %arg4[%add3A_20, %dma_wait3A_67] : memref<10240x16xf32, #tpu.memory_space<vmem_shared>> -> memref<128x16xf32, #tpu.memory_space<vmem_shared>>
      tpu.wait_dma2 semaphore(%run_scoped3A : memref<!tpu.dma_semaphore, #tpu.memory_space<semaphore_mem>>) src(%arg5 : memref<128x16xf32, #tpu.memory_space<vmem>>) dst(%dma_wait3A_68 : memref<128x16xf32, #tpu.memory_space<vmem_shared>>)
      tpu.yield
    }) : () -> ()
    %mul3A_21 = arith.constant 640 : i32
    %mul3A_22 = arith.muli %arg1, %mul3A_21 : i32
    %add3A_23 = arith.constant 256 : i32
    %add3A_24 = arith.addi %mul3A_22, %add3A_23 : i32
    "tpu.region"() ({
      %run_scoped3A = tpu.sem_alloc : memref<!tpu.dma_semaphore, #tpu.memory_space<semaphore_mem>>
      %dma_start3A = arith.constant 0 : i32
      %dma_start3A_63 = tpu.memref_slice %arg4[%add3A_24, %dma_start3A] : memref<10240x16xf32, #tpu.memory_space<vmem_shared>> -> memref<128x16xf32, #tpu.memory_space<vmem_shared>>
      %dma_start3A_64 = arith.constant 0 : i32
      %dma_start3A_65 = tpu.memref_slice %arg4[%add3A_24, %dma_start3A_64] : memref<10240x16xf32, #tpu.memory_space<vmem_shared>> -> memref<128x16xf32, #tpu.memory_space<vmem_shared>>
      tpu.enqueue_dma source(%arg5 : memref<128x16xf32, #tpu.memory_space<vmem>>) target(%dma_start3A_65 : memref<128x16xf32, #tpu.memory_space<vmem_shared>>) target_semaphore(%run_scoped3A : memref<!tpu.dma_semaphore, #tpu.memory_space<semaphore_mem>>)
      %dma_wait3A = arith.constant 0 : i32
      %dma_wait3A_66 = tpu.memref_slice %arg4[%add3A_24, %dma_wait3A] : memref<10240x16xf32, #tpu.memory_space<vmem_shared>> -> memref<128x16xf32, #tpu.memory_space<vmem_shared>>
      %dma_wait3A_67 = arith.constant 0 : i32
      %dma_wait3A_68 = tpu.memref_slice %arg4[%add3A_24, %dma_wait3A_67] : memref<10240x16xf32, #tpu.memory_space<vmem_shared>> -> memref<128x16xf32, #tpu.memory_space<vmem_shared>>
      tpu.wait_dma2 semaphore(%run_scoped3A : memref<!tpu.dma_semaphore, #tpu.memory_space<semaphore_mem>>) src(%arg5 : memref<128x16xf32, #tpu.memory_space<vmem>>) dst(%dma_wait3A_68 : memref<128x16xf32, #tpu.memory_space<vmem_shared>>)
      tpu.yield
    }) : () -> ()
    %mul3A_25 = arith.constant 640 : i32
    %mul3A_26 = arith.muli %arg1, %mul3A_25 : i32
    %add3A_27 = arith.constant 384 : i32
    %add3A_28 = arith.addi %mul3A_26, %add3A_27 : i32
    "tpu.region"() ({
      %run_scoped3A = tpu.sem_alloc : memref<!tpu.dma_semaphore, #tpu.memory_space<semaphore_mem>>
      %dma_start3A = arith.constant 0 : i32
      %dma_start3A_63 = tpu.memref_slice %arg4[%add3A_28, %dma_start3A] : memref<10240x16xf32, #tpu.memory_space<vmem_shared>> -> memref<128x16xf32, #tpu.memory_space<vmem_shared>>
      %dma_start3A_64 = arith.constant 0 : i32
      %dma_start3A_65 = tpu.memref_slice %arg4[%add3A_28, %dma_start3A_64] : memref<10240x16xf32, #tpu.memory_space<vmem_shared>> -> memref<128x16xf32, #tpu.memory_space<vmem_shared>>
      tpu.enqueue_dma source(%arg5 : memref<128x16xf32, #tpu.memory_space<vmem>>) target(%dma_start3A_65 : memref<128x16xf32, #tpu.memory_space<vmem_shared>>) target_semaphore(%run_scoped3A : memref<!tpu.dma_semaphore, #tpu.memory_space<semaphore_mem>>)
      %dma_wait3A = arith.constant 0 : i32
      %dma_wait3A_66 = tpu.memref_slice %arg4[%add3A_28, %dma_wait3A] : memref<10240x16xf32, #tpu.memory_space<vmem_shared>> -> memref<128x16xf32, #tpu.memory_space<vmem_shared>>
      %dma_wait3A_67 = arith.constant 0 : i32
      %dma_wait3A_68 = tpu.memref_slice %arg4[%add3A_28, %dma_wait3A_67] : memref<10240x16xf32, #tpu.memory_space<vmem_shared>> -> memref<128x16xf32, #tpu.memory_space<vmem_shared>>
      tpu.wait_dma2 semaphore(%run_scoped3A : memref<!tpu.dma_semaphore, #tpu.memory_space<semaphore_mem>>) src(%arg5 : memref<128x16xf32, #tpu.memory_space<vmem>>) dst(%dma_wait3A_68 : memref<128x16xf32, #tpu.memory_space<vmem_shared>>)
      tpu.yield
    }) : () -> ()
    %mul3A_29 = arith.constant 640 : i32
    %mul3A_30 = arith.muli %arg1, %mul3A_29 : i32
    %add3A_31 = arith.constant 512 : i32
    %add3A_32 = arith.addi %mul3A_30, %add3A_31 : i32
    "tpu.region"() ({
      %run_scoped3A = tpu.sem_alloc : memref<!tpu.dma_semaphore, #tpu.memory_space<semaphore_mem>>
      %dma_start3A = arith.constant 0 : i32
      %dma_start3A_63 = tpu.memref_slice %arg4[%add3A_32, %dma_start3A] : memref<10240x16xf32, #tpu.memory_space<vmem_shared>> -> memref<128x16xf32, #tpu.memory_space<vmem_shared>>
      %dma_start3A_64 = arith.constant 0 : i32
      %dma_start3A_65 = tpu.memref_slice %arg4[%add3A_32, %dma_start3A_64] : memref<10240x16xf32, #tpu.memory_space<vmem_shared>> -> memref<128x16xf32, #tpu.memory_space<vmem_shared>>
      tpu.enqueue_dma source(%arg5 : memref<128x16xf32, #tpu.memory_space<vmem>>) target(%dma_start3A_65 : memref<128x16xf32, #tpu.memory_space<vmem_shared>>) target_semaphore(%run_scoped3A : memref<!tpu.dma_semaphore, #tpu.memory_space<semaphore_mem>>)
      %dma_wait3A = arith.constant 0 : i32
      %dma_wait3A_66 = tpu.memref_slice %arg4[%add3A_32, %dma_wait3A] : memref<10240x16xf32, #tpu.memory_space<vmem_shared>> -> memref<128x16xf32, #tpu.memory_space<vmem_shared>>
      %dma_wait3A_67 = arith.constant 0 : i32
      %dma_wait3A_68 = tpu.memref_slice %arg4[%add3A_32, %dma_wait3A_67] : memref<10240x16xf32, #tpu.memory_space<vmem_shared>> -> memref<128x16xf32, #tpu.memory_space<vmem_shared>>
      tpu.wait_dma2 semaphore(%run_scoped3A : memref<!tpu.dma_semaphore, #tpu.memory_space<semaphore_mem>>) src(%arg5 : memref<128x16xf32, #tpu.memory_space<vmem>>) dst(%dma_wait3A_68 : memref<128x16xf32, #tpu.memory_space<vmem_shared>>)
      tpu.yield
    }) : () -> ()
    %barrier3A = arith.constant 0 : index
    tpu.barrier barrier_id(%barrier3A)
    %mul3A_33 = arith.constant 10240 : i32
    %mul3A_34 = arith.muli %add3A, %mul3A_33 : i32
    %scan3A_35 = arith.constant 0 : i32
    %scan3A_36 = arith.constant 0 : i32
    %scan3A_37 = arith.constant 20 : i32
    %scan3A_38 = arith.addi %scan3A_36, %scan3A_37 : i32
    %scan3A_39 = arith.constant 1 : i32
    %scan3A_40 = scf.for %scan3A_63 = %scan3A_36 to %scan3A_38 step %scan3A_39 iter_args(%scan3A_64 = %scan3A_35) -> (i32)  : i32 {
      %mul3A_65 = arith.constant 512 : i32
      %mul3A_66 = arith.muli %scan3A_63, %mul3A_65 : i32
      %add3A_67 = arith.addi %mul3A_34, %mul3A_66 : i32
      %add3A_68 = arith.constant 0 : i32
      %add3A_69 = arith.addi %add3A_67, %add3A_68 : i32
      %dma_start3A = tpu.memref_slice %arg2[%add3A_69] : memref<327680xi32, #tpu.memory_space<hbm>> -> memref<128xi32, #tpu.memory_space<hbm>>
      %dma_start3A_70 = tpu.memref_slice %arg2[%add3A_69] : memref<327680xi32, #tpu.memory_space<hbm>> -> memref<128xi32, #tpu.memory_space<hbm>>
      tpu.enqueue_dma source(%dma_start3A_70 : memref<128xi32, #tpu.memory_space<hbm>>) target(%arg7 : memref<128xi32, #tpu.memory_space<vmem>>) target_semaphore(%arg11 : memref<!tpu.dma_semaphore, #tpu.memory_space<semaphore_mem>>)
      %add3A_71 = arith.constant 128 : i32
      %add3A_72 = arith.addi %add3A_67, %add3A_71 : i32
      %dma_start3A_73 = tpu.memref_slice %arg2[%add3A_72] : memref<327680xi32, #tpu.memory_space<hbm>> -> memref<128xi32, #tpu.memory_space<hbm>>
      %dma_start3A_74 = tpu.memref_slice %arg2[%add3A_72] : memref<327680xi32, #tpu.memory_space<hbm>> -> memref<128xi32, #tpu.memory_space<hbm>>
      tpu.enqueue_dma source(%dma_start3A_74 : memref<128xi32, #tpu.memory_space<hbm>>) target(%arg8 : memref<128xi32, #tpu.memory_space<vmem>>) target_semaphore(%arg12 : memref<!tpu.dma_semaphore, #tpu.memory_space<semaphore_mem>>)
      %add3A_75 = arith.constant 256 : i32
      %add3A_76 = arith.addi %add3A_67, %add3A_75 : i32
      %dma_start3A_77 = tpu.memref_slice %arg2[%add3A_76] : memref<327680xi32, #tpu.memory_space<hbm>> -> memref<128xi32, #tpu.memory_space<hbm>>
      %dma_start3A_78 = tpu.memref_slice %arg2[%add3A_76] : memref<327680xi32, #tpu.memory_space<hbm>> -> memref<128xi32, #tpu.memory_space<hbm>>
      tpu.enqueue_dma source(%dma_start3A_78 : memref<128xi32, #tpu.memory_space<hbm>>) target(%arg9 : memref<128xi32, #tpu.memory_space<vmem>>) target_semaphore(%arg13 : memref<!tpu.dma_semaphore, #tpu.memory_space<semaphore_mem>>)
      %add3A_79 = arith.constant 384 : i32
      %add3A_80 = arith.addi %add3A_67, %add3A_79 : i32
      %dma_start3A_81 = tpu.memref_slice %arg2[%add3A_80] : memref<327680xi32, #tpu.memory_space<hbm>> -> memref<128xi32, #tpu.memory_space<hbm>>
      %dma_start3A_82 = tpu.memref_slice %arg2[%add3A_80] : memref<327680xi32, #tpu.memory_space<hbm>> -> memref<128xi32, #tpu.memory_space<hbm>>
      tpu.enqueue_dma source(%dma_start3A_82 : memref<128xi32, #tpu.memory_space<hbm>>) target(%arg10 : memref<128xi32, #tpu.memory_space<vmem>>) target_semaphore(%arg14 : memref<!tpu.dma_semaphore, #tpu.memory_space<semaphore_mem>>)
      %dma_wait3A = tpu.memref_slice %arg2[%add3A_69] : memref<327680xi32, #tpu.memory_space<hbm>> -> memref<128xi32, #tpu.memory_space<hbm>>
      %dma_wait3A_83 = tpu.memref_slice %arg2[%add3A_69] : memref<327680xi32, #tpu.memory_space<hbm>> -> memref<128xi32, #tpu.memory_space<hbm>>
      tpu.wait_dma2 semaphore(%arg11 : memref<!tpu.dma_semaphore, #tpu.memory_space<semaphore_mem>>) src(%dma_wait3A_83 : memref<128xi32, #tpu.memory_space<hbm>>) dst(%arg7 : memref<128xi32, #tpu.memory_space<vmem>>)
      %dma_start3A_84 = arith.constant 0 : i32
      %dma_start3A_85 = arith.constant 0 : i32
      %dma_start3A_86 = tpu.memref_slice %arg4[%dma_start3A_84, %dma_start3A_85] : memref<10240x16xf32, #tpu.memory_space<vmem_shared>> -> memref<10240x16xf32, #tpu.memory_space<vmem_shared>>
      tpu.enqueue_indirect_dma source(%arg6 : memref<128x16xf32, #tpu.memory_space<vmem>>) target(%dma_start3A_86 : memref<10240x16xf32, #tpu.memory_space<vmem_shared>>) offsets(%arg7 : memref<128xi32, #tpu.memory_space<vmem>>) semaphore(%arg15 : memref<!tpu.dma_semaphore, #tpu.memory_space<semaphore_mem>>) {add = true}
      %dma_wait3A_87 = tpu.memref_slice %arg2[%add3A_72] : memref<327680xi32, #tpu.memory_space<hbm>> -> memref<128xi32, #tpu.memory_space<hbm>>
      %dma_wait3A_88 = tpu.memref_slice %arg2[%add3A_72] : memref<327680xi32, #tpu.memory_space<hbm>> -> memref<128xi32, #tpu.memory_space<hbm>>
      tpu.wait_dma2 semaphore(%arg12 : memref<!tpu.dma_semaphore, #tpu.memory_space<semaphore_mem>>) src(%dma_wait3A_88 : memref<128xi32, #tpu.memory_space<hbm>>) dst(%arg8 : memref<128xi32, #tpu.memory_space<vmem>>)
      %dma_wait3A_89 = arith.constant 0 : i32
      %dma_wait3A_90 = arith.constant 0 : i32
      %dma_wait3A_91 = tpu.memref_slice %arg4[%dma_wait3A_89, %dma_wait3A_90] : memref<10240x16xf32, #tpu.memory_space<vmem_shared>> -> memref<10240x16xf32, #tpu.memory_space<vmem_shared>>
      tpu.wait_indirect_dma semaphore(%arg15 : memref<!tpu.dma_semaphore, #tpu.memory_space<semaphore_mem>>) src(%arg6 : memref<128x16xf32, #tpu.memory_space<vmem>>) dst(%dma_wait3A_91 : memref<10240x16xf32, #tpu.memory_space<vmem_shared>>)
      %dma_start3A_92 = arith.constant 0 : i32
      %dma_start3A_93 = arith.constant 0 : i32
      %dma_start3A_94 = tpu.memref_slice %arg4[%dma_start3A_92, %dma_start3A_93] : memref<10240x16xf32, #tpu.memory_space<vmem_shared>> -> memref<10240x16xf32, #tpu.memory_space<vmem_shared>>
      tpu.enqueue_indirect_dma source(%arg6 : memref<128x16xf32, #tpu.memory_space<vmem>>) target(%dma_start3A_94 : memref<10240x16xf32, #tpu.memory_space<vmem_shared>>) offsets(%arg8 : memref<128xi32, #tpu.memory_space<vmem>>) semaphore(%arg16 : memref<!tpu.dma_semaphore, #tpu.memory_space<semaphore_mem>>) {add = true}
      %dma_wait3A_95 = tpu.memref_slice %arg2[%add3A_76] : memref<327680xi32, #tpu.memory_space<hbm>> -> memref<128xi32, #tpu.memory_space<hbm>>
      %dma_wait3A_96 = tpu.memref_slice %arg2[%add3A_76] : memref<327680xi32, #tpu.memory_space<hbm>> -> memref<128xi32, #tpu.memory_space<hbm>>
      tpu.wait_dma2 semaphore(%arg13 : memref<!tpu.dma_semaphore, #tpu.memory_space<semaphore_mem>>) src(%dma_wait3A_96 : memref<128xi32, #tpu.memory_space<hbm>>) dst(%arg9 : memref<128xi32, #tpu.memory_space<vmem>>)
      %dma_wait3A_97 = arith.constant 0 : i32
      %dma_wait3A_98 = arith.constant 0 : i32
      %dma_wait3A_99 = tpu.memref_slice %arg4[%dma_wait3A_97, %dma_wait3A_98] : memref<10240x16xf32, #tpu.memory_space<vmem_shared>> -> memref<10240x16xf32, #tpu.memory_space<vmem_shared>>
      tpu.wait_indirect_dma semaphore(%arg16 : memref<!tpu.dma_semaphore, #tpu.memory_space<semaphore_mem>>) src(%arg6 : memref<128x16xf32, #tpu.memory_space<vmem>>) dst(%dma_wait3A_99 : memref<10240x16xf32, #tpu.memory_space<vmem_shared>>)
      %dma_start3A_100 = arith.constant 0 : i32
      %dma_start3A_101 = arith.constant 0 : i32
      %dma_start3A_102 = tpu.memref_slice %arg4[%dma_start3A_100, %dma_start3A_101] : memref<10240x16xf32, #tpu.memory_space<vmem_shared>> -> memref<10240x16xf32, #tpu.memory_space<vmem_shared>>
      tpu.enqueue_indirect_dma source(%arg6 : memref<128x16xf32, #tpu.memory_space<vmem>>) target(%dma_start3A_102 : memref<10240x16xf32, #tpu.memory_space<vmem_shared>>) offsets(%arg9 : memref<128xi32, #tpu.memory_space<vmem>>) semaphore(%arg17 : memref<!tpu.dma_semaphore, #tpu.memory_space<semaphore_mem>>) {add = true}
      %dma_wait3A_103 = tpu.memref_slice %arg2[%add3A_80] : memref<327680xi32, #tpu.memory_space<hbm>> -> memref<128xi32, #tpu.memory_space<hbm>>
      %dma_wait3A_104 = tpu.memref_slice %arg2[%add3A_80] : memref<327680xi32, #tpu.memory_space<hbm>> -> memref<128xi32, #tpu.memory_space<hbm>>
      tpu.wait_dma2 semaphore(%arg14 : memref<!tpu.dma_semaphore, #tpu.memory_space<semaphore_mem>>) src(%dma_wait3A_104 : memref<128xi32, #tpu.memory_space<hbm>>) dst(%arg10 : memref<128xi32, #tpu.memory_space<vmem>>)
      %dma_wait3A_105 = arith.constant 0 : i32
      %dma_wait3A_106 = arith.constant 0 : i32
      %dma_wait3A_107 = tpu.memref_slice %arg4[%dma_wait3A_105, %dma_wait3A_106] : memref<10240x16xf32, #tpu.memory_space<vmem_shared>> -> memref<10240x16xf32, #tpu.memory_space<vmem_shared>>
      tpu.wait_indirect_dma semaphore(%arg17 : memref<!tpu.dma_semaphore, #tpu.memory_space<semaphore_mem>>) src(%arg6 : memref<128x16xf32, #tpu.memory_space<vmem>>) dst(%dma_wait3A_107 : memref<10240x16xf32, #tpu.memory_space<vmem_shared>>)
      %dma_start3A_108 = arith.constant 0 : i32
      %dma_start3A_109 = arith.constant 0 : i32
      %dma_start3A_110 = tpu.memref_slice %arg4[%dma_start3A_108, %dma_start3A_109] : memref<10240x16xf32, #tpu.memory_space<vmem_shared>> -> memref<10240x16xf32, #tpu.memory_space<vmem_shared>>
      tpu.enqueue_indirect_dma source(%arg6 : memref<128x16xf32, #tpu.memory_space<vmem>>) target(%dma_start3A_110 : memref<10240x16xf32, #tpu.memory_space<vmem_shared>>) offsets(%arg10 : memref<128xi32, #tpu.memory_space<vmem>>) semaphore(%arg18 : memref<!tpu.dma_semaphore, #tpu.memory_space<semaphore_mem>>) {add = true}
      %dma_wait3A_111 = arith.constant 0 : i32
      %dma_wait3A_112 = arith.constant 0 : i32
      %dma_wait3A_113 = tpu.memref_slice %arg4[%dma_wait3A_111, %dma_wait3A_112] : memref<10240x16xf32, #tpu.memory_space<vmem_shared>> -> memref<10240x16xf32, #tpu.memory_space<vmem_shared>>
      tpu.wait_indirect_dma semaphore(%arg18 : memref<!tpu.dma_semaphore, #tpu.memory_space<semaphore_mem>>) src(%arg6 : memref<128x16xf32, #tpu.memory_space<vmem>>) dst(%dma_wait3A_113 : memref<10240x16xf32, #tpu.memory_space<vmem_shared>>)
      %scan3A_114 = arith.constant 0 : i32
      scf.yield %scan3A_114 : i32
    }
    %scan3A_41 = arith.constant 20 : i32
    %barrier3A_42 = arith.constant 0 : index
    tpu.barrier barrier_id(%barrier3A_42)
    %mul3A_43 = arith.constant 640 : i32
    %mul3A_44 = arith.muli %arg1, %mul3A_43 : i32
    %add3A_45 = arith.constant 0 : i32
    %add3A_46 = arith.addi %mul3A_44, %add3A_45 : i32
    "tpu.region"() ({
      %run_scoped3A = tpu.sem_alloc : memref<!tpu.dma_semaphore, #tpu.memory_space<semaphore_mem>>
      %dma_start3A = arith.constant 0 : i32
      %dma_start3A_63 = tpu.memref_slice %arg3[%arg0, %add3A_46, %dma_start3A] : memref<2x10240x16xf32, #tpu.memory_space<hbm>> -> memref<1x128x16xf32, #tpu.memory_space<hbm>>
      %dma_start3A_64 = tpu.memref_squeeze %dma_start3A_63 : memref<1x128x16xf32, #tpu.memory_space<hbm>> -> memref<128x16xf32, #tpu.memory_space<hbm>>
      %dma_start3A_65 = arith.constant 0 : i32
      %dma_start3A_66 = tpu.memref_slice %arg4[%add3A_46, %dma_start3A_65] : memref<10240x16xf32, #tpu.memory_space<vmem_shared>> -> memref<128x16xf32, #tpu.memory_space<vmem_shared>>
      tpu.enqueue_dma source(%dma_start3A_66 : memref<128x16xf32, #tpu.memory_space<vmem_shared>>) target(%dma_start3A_64 : memref<128x16xf32, #tpu.memory_space<hbm>>) target_semaphore(%run_scoped3A : memref<!tpu.dma_semaphore, #tpu.memory_space<semaphore_mem>>)
      %dma_wait3A = arith.constant 0 : i32
      %dma_wait3A_67 = tpu.memref_slice %arg3[%arg0, %add3A_46, %dma_wait3A] : memref<2x10240x16xf32, #tpu.memory_space<hbm>> -> memref<1x128x16xf32, #tpu.memory_space<hbm>>
      %dma_wait3A_68 = tpu.memref_squeeze %dma_wait3A_67 : memref<1x128x16xf32, #tpu.memory_space<hbm>> -> memref<128x16xf32, #tpu.memory_space<hbm>>
      %dma_wait3A_69 = arith.constant 0 : i32
      %dma_wait3A_70 = tpu.memref_slice %arg4[%add3A_46, %dma_wait3A_69] : memref<10240x16xf32, #tpu.memory_space<vmem_shared>> -> memref<128x16xf32, #tpu.memory_space<vmem_shared>>
      tpu.wait_dma2 semaphore(%run_scoped3A : memref<!tpu.dma_semaphore, #tpu.memory_space<semaphore_mem>>) src(%dma_wait3A_70 : memref<128x16xf32, #tpu.memory_space<vmem_shared>>) dst(%dma_wait3A_68 : memref<128x16xf32, #tpu.memory_space<hbm>>)
      tpu.yield
    }) : () -> ()
    %mul3A_47 = arith.constant 640 : i32
    %mul3A_48 = arith.muli %arg1, %mul3A_47 : i32
    %add3A_49 = arith.constant 128 : i32
    %add3A_50 = arith.addi %mul3A_48, %add3A_49 : i32
    "tpu.region"() ({
      %run_scoped3A = tpu.sem_alloc : memref<!tpu.dma_semaphore, #tpu.memory_space<semaphore_mem>>
      %dma_start3A = arith.constant 0 : i32
      %dma_start3A_63 = tpu.memref_slice %arg3[%arg0, %add3A_50, %dma_start3A] : memref<2x10240x16xf32, #tpu.memory_space<hbm>> -> memref<1x128x16xf32, #tpu.memory_space<hbm>>
      %dma_start3A_64 = tpu.memref_squeeze %dma_start3A_63 : memref<1x128x16xf32, #tpu.memory_space<hbm>> -> memref<128x16xf32, #tpu.memory_space<hbm>>
      %dma_start3A_65 = arith.constant 0 : i32
      %dma_start3A_66 = tpu.memref_slice %arg4[%add3A_50, %dma_start3A_65] : memref<10240x16xf32, #tpu.memory_space<vmem_shared>> -> memref<128x16xf32, #tpu.memory_space<vmem_shared>>
      tpu.enqueue_dma source(%dma_start3A_66 : memref<128x16xf32, #tpu.memory_space<vmem_shared>>) target(%dma_start3A_64 : memref<128x16xf32, #tpu.memory_space<hbm>>) target_semaphore(%run_scoped3A : memref<!tpu.dma_semaphore, #tpu.memory_space<semaphore_mem>>)
      %dma_wait3A = arith.constant 0 : i32
      %dma_wait3A_67 = tpu.memref_slice %arg3[%arg0, %add3A_50, %dma_wait3A] : memref<2x10240x16xf32, #tpu.memory_space<hbm>> -> memref<1x128x16xf32, #tpu.memory_space<hbm>>
      %dma_wait3A_68 = tpu.memref_squeeze %dma_wait3A_67 : memref<1x128x16xf32, #tpu.memory_space<hbm>> -> memref<128x16xf32, #tpu.memory_space<hbm>>
      %dma_wait3A_69 = arith.constant 0 : i32
      %dma_wait3A_70 = tpu.memref_slice %arg4[%add3A_50, %dma_wait3A_69] : memref<10240x16xf32, #tpu.memory_space<vmem_shared>> -> memref<128x16xf32, #tpu.memory_space<vmem_shared>>
      tpu.wait_dma2 semaphore(%run_scoped3A : memref<!tpu.dma_semaphore, #tpu.memory_space<semaphore_mem>>) src(%dma_wait3A_70 : memref<128x16xf32, #tpu.memory_space<vmem_shared>>) dst(%dma_wait3A_68 : memref<128x16xf32, #tpu.memory_space<hbm>>)
      tpu.yield
    }) : () -> ()
    %mul3A_51 = arith.constant 640 : i32
    %mul3A_52 = arith.muli %arg1, %mul3A_51 : i32
    %add3A_53 = arith.constant 256 : i32
    %add3A_54 = arith.addi %mul3A_52, %add3A_53 : i32
    "tpu.region"() ({
      %run_scoped3A = tpu.sem_alloc : memref<!tpu.dma_semaphore, #tpu.memory_space<semaphore_mem>>
      %dma_start3A = arith.constant 0 : i32
      %dma_start3A_63 = tpu.memref_slice %arg3[%arg0, %add3A_54, %dma_start3A] : memref<2x10240x16xf32, #tpu.memory_space<hbm>> -> memref<1x128x16xf32, #tpu.memory_space<hbm>>
      %dma_start3A_64 = tpu.memref_squeeze %dma_start3A_63 : memref<1x128x16xf32, #tpu.memory_space<hbm>> -> memref<128x16xf32, #tpu.memory_space<hbm>>
      %dma_start3A_65 = arith.constant 0 : i32
      %dma_start3A_66 = tpu.memref_slice %arg4[%add3A_54, %dma_start3A_65] : memref<10240x16xf32, #tpu.memory_space<vmem_shared>> -> memref<128x16xf32, #tpu.memory_space<vmem_shared>>
      tpu.enqueue_dma source(%dma_start3A_66 : memref<128x16xf32, #tpu.memory_space<vmem_shared>>) target(%dma_start3A_64 : memref<128x16xf32, #tpu.memory_space<hbm>>) target_semaphore(%run_scoped3A : memref<!tpu.dma_semaphore, #tpu.memory_space<semaphore_mem>>)
      %dma_wait3A = arith.constant 0 : i32
      %dma_wait3A_67 = tpu.memref_slice %arg3[%arg0, %add3A_54, %dma_wait3A] : memref<2x10240x16xf32, #tpu.memory_space<hbm>> -> memref<1x128x16xf32, #tpu.memory_space<hbm>>
      %dma_wait3A_68 = tpu.memref_squeeze %dma_wait3A_67 : memref<1x128x16xf32, #tpu.memory_space<hbm>> -> memref<128x16xf32, #tpu.memory_space<hbm>>
      %dma_wait3A_69 = arith.constant 0 : i32
      %dma_wait3A_70 = tpu.memref_slice %arg4[%add3A_54, %dma_wait3A_69] : memref<10240x16xf32, #tpu.memory_space<vmem_shared>> -> memref<128x16xf32, #tpu.memory_space<vmem_shared>>
      tpu.wait_dma2 semaphore(%run_scoped3A : memref<!tpu.dma_semaphore, #tpu.memory_space<semaphore_mem>>) src(%dma_wait3A_70 : memref<128x16xf32, #tpu.memory_space<vmem_shared>>) dst(%dma_wait3A_68 : memref<128x16xf32, #tpu.memory_space<hbm>>)
      tpu.yield
    }) : () -> ()
    %mul3A_55 = arith.constant 640 : i32
    %mul3A_56 = arith.muli %arg1, %mul3A_55 : i32
    %add3A_57 = arith.constant 384 : i32
    %add3A_58 = arith.addi %mul3A_56, %add3A_57 : i32
    "tpu.region"() ({
      %run_scoped3A = tpu.sem_alloc : memref<!tpu.dma_semaphore, #tpu.memory_space<semaphore_mem>>
      %dma_start3A = arith.constant 0 : i32
      %dma_start3A_63 = tpu.memref_slice %arg3[%arg0, %add3A_58, %dma_start3A] : memref<2x10240x16xf32, #tpu.memory_space<hbm>> -> memref<1x128x16xf32, #tpu.memory_space<hbm>>
      %dma_start3A_64 = tpu.memref_squeeze %dma_start3A_63 : memref<1x128x16xf32, #tpu.memory_space<hbm>> -> memref<128x16xf32, #tpu.memory_space<hbm>>
      %dma_start3A_65 = arith.constant 0 : i32
      %dma_start3A_66 = tpu.memref_slice %arg4[%add3A_58, %dma_start3A_65] : memref<10240x16xf32, #tpu.memory_space<vmem_shared>> -> memref<128x16xf32, #tpu.memory_space<vmem_shared>>
      tpu.enqueue_dma source(%dma_start3A_66 : memref<128x16xf32, #tpu.memory_space<vmem_shared>>) target(%dma_start3A_64 : memref<128x16xf32, #tpu.memory_space<hbm>>) target_semaphore(%run_scoped3A : memref<!tpu.dma_semaphore, #tpu.memory_space<semaphore_mem>>)
      %dma_wait3A = arith.constant 0 : i32
      %dma_wait3A_67 = tpu.memref_slice %arg3[%arg0, %add3A_58, %dma_wait3A] : memref<2x10240x16xf32, #tpu.memory_space<hbm>> -> memref<1x128x16xf32, #tpu.memory_space<hbm>>
      %dma_wait3A_68 = tpu.memref_squeeze %dma_wait3A_67 : memref<1x128x16xf32, #tpu.memory_space<hbm>> -> memref<128x16xf32, #tpu.memory_space<hbm>>
      %dma_wait3A_69 = arith.constant 0 : i32
      %dma_wait3A_70 = tpu.memref_slice %arg4[%add3A_58, %dma_wait3A_69] : memref<10240x16xf32, #tpu.memory_space<vmem_shared>> -> memref<128x16xf32, #tpu.memory_space<vmem_shared>>
      tpu.wait_dma2 semaphore(%run_scoped3A : memref<!tpu.dma_semaphore, #tpu.memory_space<semaphore_mem>>) src(%dma_wait3A_70 : memref<128x16xf32, #tpu.memory_space<vmem_shared>>) dst(%dma_wait3A_68 : memref<128x16xf32, #tpu.memory_space<hbm>>)
      tpu.yield
    }) : () -> ()
    %mul3A_59 = arith.constant 640 : i32
    %mul3A_60 = arith.muli %arg1, %mul3A_59 : i32
    %add3A_61 = arith.constant 512 : i32
    %add3A_62 = arith.addi %mul3A_60, %add3A_61 : i32
    "tpu.region"() ({
      %run_scoped3A = tpu.sem_alloc : memref<!tpu.dma_semaphore, #tpu.memory_space<semaphore_mem>>
      %dma_start3A = arith.constant 0 : i32
      %dma_start3A_63 = tpu.memref_slice %arg3[%arg0, %add3A_62, %dma_start3A] : memref<2x10240x16xf32, #tpu.memory_space<hbm>> -> memref<1x128x16xf32, #tpu.memory_space<hbm>>
      %dma_start3A_64 = tpu.memref_squeeze %dma_start3A_63 : memref<1x128x16xf32, #tpu.memory_space<hbm>> -> memref<128x16xf32, #tpu.memory_space<hbm>>
      %dma_start3A_65 = arith.constant 0 : i32
      %dma_start3A_66 = tpu.memref_slice %arg4[%add3A_62, %dma_start3A_65] : memref<10240x16xf32, #tpu.memory_space<vmem_shared>> -> memref<128x16xf32, #tpu.memory_space<vmem_shared>>
      tpu.enqueue_dma source(%dma_start3A_66 : memref<128x16xf32, #tpu.memory_space<vmem_shared>>) target(%dma_start3A_64 : memref<128x16xf32, #tpu.memory_space<hbm>>) target_semaphore(%run_scoped3A : memref<!tpu.dma_semaphore, #tpu.memory_space<semaphore_mem>>)
      %dma_wait3A = arith.constant 0 : i32
      %dma_wait3A_67 = tpu.memref_slice %arg3[%arg0, %add3A_62, %dma_wait3A] : memref<2x10240x16xf32, #tpu.memory_space<hbm>> -> memref<1x128x16xf32, #tpu.memory_space<hbm>>
      %dma_wait3A_68 = tpu.memref_squeeze %dma_wait3A_67 : memref<1x128x16xf32, #tpu.memory_space<hbm>> -> memref<128x16xf32, #tpu.memory_space<hbm>>
      %dma_wait3A_69 = arith.constant 0 : i32
      %dma_wait3A_70 = tpu.memref_slice %arg4[%add3A_62, %dma_wait3A_69] : memref<10240x16xf32, #tpu.memory_space<vmem_shared>> -> memref<128x16xf32, #tpu.memory_space<vmem_shared>>
      tpu.wait_dma2 semaphore(%run_scoped3A : memref<!tpu.dma_semaphore, #tpu.memory_space<semaphore_mem>>) src(%dma_wait3A_70 : memref<128x16xf32, #tpu.memory_space<vmem_shared>>) dst(%dma_wait3A_68 : memref<128x16xf32, #tpu.memory_space<hbm>>)
      tpu.yield
    }) : () -> ()
    return
  }
}

#map = affine_map<(d0, d1) -> (0, 0, 0)>
#map1 = affine_map<(d0, d1) -> (0)>
module attributes {stable_mosaic.version = 14 : i64} {
  func.func @_scat_body(%arg0: i32, %arg1: i32, %arg2: memref<2x10240x64xf32, #tpu.memory_space<hbm>>, %arg3: memref<327680xi32, #tpu.memory_space<hbm>>, %arg4: memref<327680xi32, #tpu.memory_space<hbm>>, %arg5: memref<2x10240x64xf32, #tpu.memory_space<hbm>>, %arg6: memref<10240x64xf32, #tpu.memory_space<vmem_shared>>, %arg7: memref<10240x64xf32, #tpu.memory_space<vmem_shared>>, %arg8: memref<64x64xf32, #tpu.memory_space<vmem>>, %arg9: memref<64x64xf32, #tpu.memory_space<vmem>>, %arg10: memref<64x64xf32, #tpu.memory_space<vmem>>, %arg11: memref<64x64xf32, #tpu.memory_space<vmem>>, %arg12: memref<64x64xf32, #tpu.memory_space<vmem>>, %arg13: memref<64xi32, #tpu.memory_space<vmem>>, %arg14: memref<64xi32, #tpu.memory_space<vmem>>, %arg15: memref<64xi32, #tpu.memory_space<vmem>>, %arg16: memref<64xi32, #tpu.memory_space<vmem>>, %arg17: memref<64xi32, #tpu.memory_space<vmem>>, %arg18: memref<64xi32, #tpu.memory_space<vmem>>, %arg19: memref<64xi32, #tpu.memory_space<vmem>>, %arg20: memref<64xi32, #tpu.memory_space<vmem>>, %arg21: memref<64xi32, #tpu.memory_space<vmem>>, %arg22: memref<64xi32, #tpu.memory_space<vmem>>, %arg23: memref<!tpu.dma_semaphore, #tpu.memory_space<semaphore_mem>>, %arg24: memref<!tpu.dma_semaphore, #tpu.memory_space<semaphore_mem>>, %arg25: memref<!tpu.dma_semaphore, #tpu.memory_space<semaphore_mem>>, %arg26: memref<!tpu.dma_semaphore, #tpu.memory_space<semaphore_mem>>, %arg27: memref<!tpu.dma_semaphore, #tpu.memory_space<semaphore_mem>>, %arg28: memref<!tpu.dma_semaphore, #tpu.memory_space<semaphore_mem>>, %arg29: memref<!tpu.dma_semaphore, #tpu.memory_space<semaphore_mem>>, %arg30: memref<!tpu.dma_semaphore, #tpu.memory_space<semaphore_mem>>, %arg31: memref<!tpu.dma_semaphore, #tpu.memory_space<semaphore_mem>>, %arg32: memref<!tpu.dma_semaphore, #tpu.memory_space<semaphore_mem>>, %arg33: memref<!tpu.dma_semaphore, #tpu.memory_space<semaphore_mem>>, %arg34: memref<!tpu.dma_semaphore, #tpu.memory_space<semaphore_mem>>, %arg35: memref<!tpu.dma_semaphore, #tpu.memory_space<semaphore_mem>>, %arg36: memref<!tpu.dma_semaphore, #tpu.memory_space<semaphore_mem>>, %arg37: memref<!tpu.dma_semaphore, #tpu.memory_space<semaphore_mem>>, %arg38: memref<!tpu.dma_semaphore, #tpu.memory_space<semaphore_mem>>, %arg39: memref<!tpu.dma_semaphore, #tpu.memory_space<semaphore_mem>>, %arg40: memref<!tpu.dma_semaphore, #tpu.memory_space<semaphore_mem>>, %arg41: memref<!tpu.dma_semaphore, #tpu.memory_space<semaphore_mem>>, %arg42: memref<!tpu.dma_semaphore, #tpu.memory_space<semaphore_mem>>) attributes {dimension_semantics = [#tpu.dimension_semantics<core_parallel>, #tpu.dimension_semantics<subcore_parallel>], iteration_bounds = array<i64: 2, 16>, scalar_prefetch = 0 : i64, scratch_operands = 37 : i64, tpu.core_type = #tpu.core_type<sc_vector_subcore>, window_params = [{transform_indices = #map}, {transform_indices = #map1}, {transform_indices = #map1}, {transform_indices = #map}]} {
    %mul3A = arith.constant 640 : i32
    %mul3A_0 = arith.muli %arg1, %mul3A : i32
    %mul3A_1 = arith.constant 640 : i32
    %mul3A_2 = arith.muli %arg1, %mul3A_1 : i32
    "tpu.region"() ({
      %run_scoped3A = tpu.sem_alloc : memref<!tpu.dma_semaphore, #tpu.memory_space<semaphore_mem>>
      %dma_start3A = arith.constant 0 : i32
      %dma_start3A_99 = tpu.memref_slice %arg6[%mul3A_2, %dma_start3A] : memref<10240x64xf32, #tpu.memory_space<vmem_shared>> -> memref<640x64xf32, #tpu.memory_space<vmem_shared>>
      %dma_start3A_100 = arith.constant 0 : i32
      %dma_start3A_101 = tpu.memref_slice %arg2[%arg0, %mul3A_0, %dma_start3A_100] : memref<2x10240x64xf32, #tpu.memory_space<hbm>> -> memref<1x640x64xf32, #tpu.memory_space<hbm>>
      %dma_start3A_102 = tpu.memref_squeeze %dma_start3A_101 : memref<1x640x64xf32, #tpu.memory_space<hbm>> -> memref<640x64xf32, #tpu.memory_space<hbm>>
      tpu.enqueue_dma source(%dma_start3A_102 : memref<640x64xf32, #tpu.memory_space<hbm>>) target(%dma_start3A_99 : memref<640x64xf32, #tpu.memory_space<vmem_shared>>) target_semaphore(%run_scoped3A : memref<!tpu.dma_semaphore, #tpu.memory_space<semaphore_mem>>)
      %dma_wait3A = arith.constant 0 : i32
      %dma_wait3A_103 = tpu.memref_slice %arg6[%mul3A_2, %dma_wait3A] : memref<10240x64xf32, #tpu.memory_space<vmem_shared>> -> memref<640x64xf32, #tpu.memory_space<vmem_shared>>
      %dma_wait3A_104 = arith.constant 0 : i32
      %dma_wait3A_105 = tpu.memref_slice %arg2[%arg0, %mul3A_0, %dma_wait3A_104] : memref<2x10240x64xf32, #tpu.memory_space<hbm>> -> memref<1x640x64xf32, #tpu.memory_space<hbm>>
      %dma_wait3A_106 = tpu.memref_squeeze %dma_wait3A_105 : memref<1x640x64xf32, #tpu.memory_space<hbm>> -> memref<640x64xf32, #tpu.memory_space<hbm>>
      tpu.wait_dma2 semaphore(%run_scoped3A : memref<!tpu.dma_semaphore, #tpu.memory_space<semaphore_mem>>) src(%dma_wait3A_106 : memref<640x64xf32, #tpu.memory_space<hbm>>) dst(%dma_wait3A_103 : memref<640x64xf32, #tpu.memory_space<vmem_shared>>)
      tpu.yield
    }) : () -> ()
    %broadcast_in_dim3A = arith.constant 0.000000e+00 : f32
    %broadcast_in_dim3A_3 = vector.broadcast %broadcast_in_dim3A : f32 to vector<16xf32>
    %scan3A = arith.constant 0 : i32
    %scan3A_4 = arith.constant 0 : i32
    %scan3A_5 = arith.constant 64 : i32
    %scan3A_6 = arith.addi %scan3A_4, %scan3A_5 : i32
    %scan3A_7 = arith.constant 1 : i32
    %scan3A_8 = scf.for %scan3A_99 = %scan3A_4 to %scan3A_6 step %scan3A_7 iter_args(%scan3A_100 = %scan3A) -> (i32)  : i32 {
      %swap3A = arith.index_cast %scan3A_99 : i32 to index
      %swap3A_101 = arith.constant 0 : index
      %swap3A_102 = tpu.vector_load %arg8[%swap3A, %swap3A_101] {strides = array<i32>} : memref<64x64xf32, #tpu.memory_space<vmem>>, vector<1x16xf32>,
      %swap3A_103 = vector.shape_cast %swap3A_102 : vector<1x16xf32> to vector<16xf32>
      %swap3A_104 = vector.shape_cast %broadcast_in_dim3A_3 : vector<16xf32> to vector<1x16xf32>
      tpu.vector_store %arg8[%swap3A, %swap3A_101], %swap3A_104 {strides = array<i32>} : memref<64x64xf32, #tpu.memory_space<vmem>>, vector<1x16xf32>,
      %swap3A_105 = arith.index_cast %scan3A_99 : i32 to index
      %swap3A_106 = arith.constant 16 : index
      %swap3A_107 = tpu.vector_load %arg8[%swap3A_105, %swap3A_106] {strides = array<i32>} : memref<64x64xf32, #tpu.memory_space<vmem>>, vector<1x16xf32>,
      %swap3A_108 = vector.shape_cast %swap3A_107 : vector<1x16xf32> to vector<16xf32>
      %swap3A_109 = vector.shape_cast %broadcast_in_dim3A_3 : vector<16xf32> to vector<1x16xf32>
      tpu.vector_store %arg8[%swap3A_105, %swap3A_106], %swap3A_109 {strides = array<i32>} : memref<64x64xf32, #tpu.memory_space<vmem>>, vector<1x16xf32>,
      %swap3A_110 = arith.index_cast %scan3A_99 : i32 to index
      %swap3A_111 = arith.constant 32 : index
      %swap3A_112 = tpu.vector_load %arg8[%swap3A_110, %swap3A_111] {strides = array<i32>} : memref<64x64xf32, #tpu.memory_space<vmem>>, vector<1x16xf32>,
      %swap3A_113 = vector.shape_cast %swap3A_112 : vector<1x16xf32> to vector<16xf32>
      %swap3A_114 = vector.shape_cast %broadcast_in_dim3A_3 : vector<16xf32> to vector<1x16xf32>
      tpu.vector_store %arg8[%swap3A_110, %swap3A_111], %swap3A_114 {strides = array<i32>} : memref<64x64xf32, #tpu.memory_space<vmem>>, vector<1x16xf32>,
      %swap3A_115 = arith.index_cast %scan3A_99 : i32 to index
      %swap3A_116 = arith.constant 48 : index
      %swap3A_117 = tpu.vector_load %arg8[%swap3A_115, %swap3A_116] {strides = array<i32>} : memref<64x64xf32, #tpu.memory_space<vmem>>, vector<1x16xf32>,
      %swap3A_118 = vector.shape_cast %swap3A_117 : vector<1x16xf32> to vector<16xf32>
      %swap3A_119 = vector.shape_cast %broadcast_in_dim3A_3 : vector<16xf32> to vector<1x16xf32>
      tpu.vector_store %arg8[%swap3A_115, %swap3A_116], %swap3A_119 {strides = array<i32>} : memref<64x64xf32, #tpu.memory_space<vmem>>, vector<1x16xf32>,
      %scan3A_120 = arith.constant 0 : i32
      scf.yield %scan3A_120 : i32
    }
    %scan3A_9 = arith.constant 64 : i32
    %mul3A_10 = arith.constant 640 : i32
    %mul3A_11 = arith.muli %arg1, %mul3A_10 : i32
    %add3A = arith.constant 0 : i32
    %add3A_12 = arith.addi %mul3A_11, %add3A : i32
    "tpu.region"() ({
      %run_scoped3A = tpu.sem_alloc : memref<!tpu.dma_semaphore, #tpu.memory_space<semaphore_mem>>
      %dma_start3A = arith.constant 0 : i32
      %dma_start3A_99 = tpu.memref_slice %arg7[%add3A_12, %dma_start3A] : memref<10240x64xf32, #tpu.memory_space<vmem_shared>> -> memref<64x64xf32, #tpu.memory_space<vmem_shared>>
      %dma_start3A_100 = arith.constant 0 : i32
      %dma_start3A_101 = tpu.memref_slice %arg7[%add3A_12, %dma_start3A_100] : memref<10240x64xf32, #tpu.memory_space<vmem_shared>> -> memref<64x64xf32, #tpu.memory_space<vmem_shared>>
      tpu.enqueue_dma source(%arg8 : memref<64x64xf32, #tpu.memory_space<vmem>>) target(%dma_start3A_101 : memref<64x64xf32, #tpu.memory_space<vmem_shared>>) target_semaphore(%run_scoped3A : memref<!tpu.dma_semaphore, #tpu.memory_space<semaphore_mem>>)
      %dma_wait3A = arith.constant 0 : i32
      %dma_wait3A_102 = tpu.memref_slice %arg7[%add3A_12, %dma_wait3A] : memref<10240x64xf32, #tpu.memory_space<vmem_shared>> -> memref<64x64xf32, #tpu.memory_space<vmem_shared>>
      %dma_wait3A_103 = arith.constant 0 : i32
      %dma_wait3A_104 = tpu.memref_slice %arg7[%add3A_12, %dma_wait3A_103] : memref<10240x64xf32, #tpu.memory_space<vmem_shared>> -> memref<64x64xf32, #tpu.memory_space<vmem_shared>>
      tpu.wait_dma2 semaphore(%run_scoped3A : memref<!tpu.dma_semaphore, #tpu.memory_space<semaphore_mem>>) src(%arg8 : memref<64x64xf32, #tpu.memory_space<vmem>>) dst(%dma_wait3A_104 : memref<64x64xf32, #tpu.memory_space<vmem_shared>>)
      tpu.yield
    }) : () -> ()
    %mul3A_13 = arith.constant 640 : i32
    %mul3A_14 = arith.muli %arg1, %mul3A_13 : i32
    %add3A_15 = arith.constant 64 : i32
    %add3A_16 = arith.addi %mul3A_14, %add3A_15 : i32
    "tpu.region"() ({
      %run_scoped3A = tpu.sem_alloc : memref<!tpu.dma_semaphore, #tpu.memory_space<semaphore_mem>>
      %dma_start3A = arith.constant 0 : i32
      %dma_start3A_99 = tpu.memref_slice %arg7[%add3A_16, %dma_start3A] : memref<10240x64xf32, #tpu.memory_space<vmem_shared>> -> memref<64x64xf32, #tpu.memory_space<vmem_shared>>
      %dma_start3A_100 = arith.constant 0 : i32
      %dma_start3A_101 = tpu.memref_slice %arg7[%add3A_16, %dma_start3A_100] : memref<10240x64xf32, #tpu.memory_space<vmem_shared>> -> memref<64x64xf32, #tpu.memory_space<vmem_shared>>
      tpu.enqueue_dma source(%arg8 : memref<64x64xf32, #tpu.memory_space<vmem>>) target(%dma_start3A_101 : memref<64x64xf32, #tpu.memory_space<vmem_shared>>) target_semaphore(%run_scoped3A : memref<!tpu.dma_semaphore, #tpu.memory_space<semaphore_mem>>)
      %dma_wait3A = arith.constant 0 : i32
      %dma_wait3A_102 = tpu.memref_slice %arg7[%add3A_16, %dma_wait3A] : memref<10240x64xf32, #tpu.memory_space<vmem_shared>> -> memref<64x64xf32, #tpu.memory_space<vmem_shared>>
      %dma_wait3A_103 = arith.constant 0 : i32
      %dma_wait3A_104 = tpu.memref_slice %arg7[%add3A_16, %dma_wait3A_103] : memref<10240x64xf32, #tpu.memory_space<vmem_shared>> -> memref<64x64xf32, #tpu.memory_space<vmem_shared>>
      tpu.wait_dma2 semaphore(%run_scoped3A : memref<!tpu.dma_semaphore, #tpu.memory_space<semaphore_mem>>) src(%arg8 : memref<64x64xf32, #tpu.memory_space<vmem>>) dst(%dma_wait3A_104 : memref<64x64xf32, #tpu.memory_space<vmem_shared>>)
      tpu.yield
    }) : () -> ()
    %mul3A_17 = arith.constant 640 : i32
    %mul3A_18 = arith.muli %arg1, %mul3A_17 : i32
    %add3A_19 = arith.constant 128 : i32
    %add3A_20 = arith.addi %mul3A_18, %add3A_19 : i32
    "tpu.region"() ({
      %run_scoped3A = tpu.sem_alloc : memref<!tpu.dma_semaphore, #tpu.memory_space<semaphore_mem>>
      %dma_start3A = arith.constant 0 : i32
      %dma_start3A_99 = tpu.memref_slice %arg7[%add3A_20, %dma_start3A] : memref<10240x64xf32, #tpu.memory_space<vmem_shared>> -> memref<64x64xf32, #tpu.memory_space<vmem_shared>>
      %dma_start3A_100 = arith.constant 0 : i32
      %dma_start3A_101 = tpu.memref_slice %arg7[%add3A_20, %dma_start3A_100] : memref<10240x64xf32, #tpu.memory_space<vmem_shared>> -> memref<64x64xf32, #tpu.memory_space<vmem_shared>>
      tpu.enqueue_dma source(%arg8 : memref<64x64xf32, #tpu.memory_space<vmem>>) target(%dma_start3A_101 : memref<64x64xf32, #tpu.memory_space<vmem_shared>>) target_semaphore(%run_scoped3A : memref<!tpu.dma_semaphore, #tpu.memory_space<semaphore_mem>>)
      %dma_wait3A = arith.constant 0 : i32
      %dma_wait3A_102 = tpu.memref_slice %arg7[%add3A_20, %dma_wait3A] : memref<10240x64xf32, #tpu.memory_space<vmem_shared>> -> memref<64x64xf32, #tpu.memory_space<vmem_shared>>
      %dma_wait3A_103 = arith.constant 0 : i32
      %dma_wait3A_104 = tpu.memref_slice %arg7[%add3A_20, %dma_wait3A_103] : memref<10240x64xf32, #tpu.memory_space<vmem_shared>> -> memref<64x64xf32, #tpu.memory_space<vmem_shared>>
      tpu.wait_dma2 semaphore(%run_scoped3A : memref<!tpu.dma_semaphore, #tpu.memory_space<semaphore_mem>>) src(%arg8 : memref<64x64xf32, #tpu.memory_space<vmem>>) dst(%dma_wait3A_104 : memref<64x64xf32, #tpu.memory_space<vmem_shared>>)
      tpu.yield
    }) : () -> ()
    %mul3A_21 = arith.constant 640 : i32
    %mul3A_22 = arith.muli %arg1, %mul3A_21 : i32
    %add3A_23 = arith.constant 192 : i32
    %add3A_24 = arith.addi %mul3A_22, %add3A_23 : i32
    "tpu.region"() ({
      %run_scoped3A = tpu.sem_alloc : memref<!tpu.dma_semaphore, #tpu.memory_space<semaphore_mem>>
      %dma_start3A = arith.constant 0 : i32
      %dma_start3A_99 = tpu.memref_slice %arg7[%add3A_24, %dma_start3A] : memref<10240x64xf32, #tpu.memory_space<vmem_shared>> -> memref<64x64xf32, #tpu.memory_space<vmem_shared>>
      %dma_start3A_100 = arith.constant 0 : i32
      %dma_start3A_101 = tpu.memref_slice %arg7[%add3A_24, %dma_start3A_100] : memref<10240x64xf32, #tpu.memory_space<vmem_shared>> -> memref<64x64xf32, #tpu.memory_space<vmem_shared>>
      tpu.enqueue_dma source(%arg8 : memref<64x64xf32, #tpu.memory_space<vmem>>) target(%dma_start3A_101 : memref<64x64xf32, #tpu.memory_space<vmem_shared>>) target_semaphore(%run_scoped3A : memref<!tpu.dma_semaphore, #tpu.memory_space<semaphore_mem>>)
      %dma_wait3A = arith.constant 0 : i32
      %dma_wait3A_102 = tpu.memref_slice %arg7[%add3A_24, %dma_wait3A] : memref<10240x64xf32, #tpu.memory_space<vmem_shared>> -> memref<64x64xf32, #tpu.memory_space<vmem_shared>>
      %dma_wait3A_103 = arith.constant 0 : i32
      %dma_wait3A_104 = tpu.memref_slice %arg7[%add3A_24, %dma_wait3A_103] : memref<10240x64xf32, #tpu.memory_space<vmem_shared>> -> memref<64x64xf32, #tpu.memory_space<vmem_shared>>
      tpu.wait_dma2 semaphore(%run_scoped3A : memref<!tpu.dma_semaphore, #tpu.memory_space<semaphore_mem>>) src(%arg8 : memref<64x64xf32, #tpu.memory_space<vmem>>) dst(%dma_wait3A_104 : memref<64x64xf32, #tpu.memory_space<vmem_shared>>)
      tpu.yield
    }) : () -> ()
    %mul3A_25 = arith.constant 640 : i32
    %mul3A_26 = arith.muli %arg1, %mul3A_25 : i32
    %add3A_27 = arith.constant 256 : i32
    %add3A_28 = arith.addi %mul3A_26, %add3A_27 : i32
    "tpu.region"() ({
      %run_scoped3A = tpu.sem_alloc : memref<!tpu.dma_semaphore, #tpu.memory_space<semaphore_mem>>
      %dma_start3A = arith.constant 0 : i32
      %dma_start3A_99 = tpu.memref_slice %arg7[%add3A_28, %dma_start3A] : memref<10240x64xf32, #tpu.memory_space<vmem_shared>> -> memref<64x64xf32, #tpu.memory_space<vmem_shared>>
      %dma_start3A_100 = arith.constant 0 : i32
      %dma_start3A_101 = tpu.memref_slice %arg7[%add3A_28, %dma_start3A_100] : memref<10240x64xf32, #tpu.memory_space<vmem_shared>> -> memref<64x64xf32, #tpu.memory_space<vmem_shared>>
      tpu.enqueue_dma source(%arg8 : memref<64x64xf32, #tpu.memory_space<vmem>>) target(%dma_start3A_101 : memref<64x64xf32, #tpu.memory_space<vmem_shared>>) target_semaphore(%run_scoped3A : memref<!tpu.dma_semaphore, #tpu.memory_space<semaphore_mem>>)
      %dma_wait3A = arith.constant 0 : i32
      %dma_wait3A_102 = tpu.memref_slice %arg7[%add3A_28, %dma_wait3A] : memref<10240x64xf32, #tpu.memory_space<vmem_shared>> -> memref<64x64xf32, #tpu.memory_space<vmem_shared>>
      %dma_wait3A_103 = arith.constant 0 : i32
      %dma_wait3A_104 = tpu.memref_slice %arg7[%add3A_28, %dma_wait3A_103] : memref<10240x64xf32, #tpu.memory_space<vmem_shared>> -> memref<64x64xf32, #tpu.memory_space<vmem_shared>>
      tpu.wait_dma2 semaphore(%run_scoped3A : memref<!tpu.dma_semaphore, #tpu.memory_space<semaphore_mem>>) src(%arg8 : memref<64x64xf32, #tpu.memory_space<vmem>>) dst(%dma_wait3A_104 : memref<64x64xf32, #tpu.memory_space<vmem_shared>>)
      tpu.yield
    }) : () -> ()
    %mul3A_29 = arith.constant 640 : i32
    %mul3A_30 = arith.muli %arg1, %mul3A_29 : i32
    %add3A_31 = arith.constant 320 : i32
    %add3A_32 = arith.addi %mul3A_30, %add3A_31 : i32
    "tpu.region"() ({
      %run_scoped3A = tpu.sem_alloc : memref<!tpu.dma_semaphore, #tpu.memory_space<semaphore_mem>>
      %dma_start3A = arith.constant 0 : i32
      %dma_start3A_99 = tpu.memref_slice %arg7[%add3A_32, %dma_start3A] : memref<10240x64xf32, #tpu.memory_space<vmem_shared>> -> memref<64x64xf32, #tpu.memory_space<vmem_shared>>
      %dma_start3A_100 = arith.constant 0 : i32
      %dma_start3A_101 = tpu.memref_slice %arg7[%add3A_32, %dma_start3A_100] : memref<10240x64xf32, #tpu.memory_space<vmem_shared>> -> memref<64x64xf32, #tpu.memory_space<vmem_shared>>
      tpu.enqueue_dma source(%arg8 : memref<64x64xf32, #tpu.memory_space<vmem>>) target(%dma_start3A_101 : memref<64x64xf32, #tpu.memory_space<vmem_shared>>) target_semaphore(%run_scoped3A : memref<!tpu.dma_semaphore, #tpu.memory_space<semaphore_mem>>)
      %dma_wait3A = arith.constant 0 : i32
      %dma_wait3A_102 = tpu.memref_slice %arg7[%add3A_32, %dma_wait3A] : memref<10240x64xf32, #tpu.memory_space<vmem_shared>> -> memref<64x64xf32, #tpu.memory_space<vmem_shared>>
      %dma_wait3A_103 = arith.constant 0 : i32
      %dma_wait3A_104 = tpu.memref_slice %arg7[%add3A_32, %dma_wait3A_103] : memref<10240x64xf32, #tpu.memory_space<vmem_shared>> -> memref<64x64xf32, #tpu.memory_space<vmem_shared>>
      tpu.wait_dma2 semaphore(%run_scoped3A : memref<!tpu.dma_semaphore, #tpu.memory_space<semaphore_mem>>) src(%arg8 : memref<64x64xf32, #tpu.memory_space<vmem>>) dst(%dma_wait3A_104 : memref<64x64xf32, #tpu.memory_space<vmem_shared>>)
      tpu.yield
    }) : () -> ()
    %mul3A_33 = arith.constant 640 : i32
    %mul3A_34 = arith.muli %arg1, %mul3A_33 : i32
    %add3A_35 = arith.constant 384 : i32
    %add3A_36 = arith.addi %mul3A_34, %add3A_35 : i32
    "tpu.region"() ({
      %run_scoped3A = tpu.sem_alloc : memref<!tpu.dma_semaphore, #tpu.memory_space<semaphore_mem>>
      %dma_start3A = arith.constant 0 : i32
      %dma_start3A_99 = tpu.memref_slice %arg7[%add3A_36, %dma_start3A] : memref<10240x64xf32, #tpu.memory_space<vmem_shared>> -> memref<64x64xf32, #tpu.memory_space<vmem_shared>>
      %dma_start3A_100 = arith.constant 0 : i32
      %dma_start3A_101 = tpu.memref_slice %arg7[%add3A_36, %dma_start3A_100] : memref<10240x64xf32, #tpu.memory_space<vmem_shared>> -> memref<64x64xf32, #tpu.memory_space<vmem_shared>>
      tpu.enqueue_dma source(%arg8 : memref<64x64xf32, #tpu.memory_space<vmem>>) target(%dma_start3A_101 : memref<64x64xf32, #tpu.memory_space<vmem_shared>>) target_semaphore(%run_scoped3A : memref<!tpu.dma_semaphore, #tpu.memory_space<semaphore_mem>>)
      %dma_wait3A = arith.constant 0 : i32
      %dma_wait3A_102 = tpu.memref_slice %arg7[%add3A_36, %dma_wait3A] : memref<10240x64xf32, #tpu.memory_space<vmem_shared>> -> memref<64x64xf32, #tpu.memory_space<vmem_shared>>
      %dma_wait3A_103 = arith.constant 0 : i32
      %dma_wait3A_104 = tpu.memref_slice %arg7[%add3A_36, %dma_wait3A_103] : memref<10240x64xf32, #tpu.memory_space<vmem_shared>> -> memref<64x64xf32, #tpu.memory_space<vmem_shared>>
      tpu.wait_dma2 semaphore(%run_scoped3A : memref<!tpu.dma_semaphore, #tpu.memory_space<semaphore_mem>>) src(%arg8 : memref<64x64xf32, #tpu.memory_space<vmem>>) dst(%dma_wait3A_104 : memref<64x64xf32, #tpu.memory_space<vmem_shared>>)
      tpu.yield
    }) : () -> ()
    %mul3A_37 = arith.constant 640 : i32
    %mul3A_38 = arith.muli %arg1, %mul3A_37 : i32
    %add3A_39 = arith.constant 448 : i32
    %add3A_40 = arith.addi %mul3A_38, %add3A_39 : i32
    "tpu.region"() ({
      %run_scoped3A = tpu.sem_alloc : memref<!tpu.dma_semaphore, #tpu.memory_space<semaphore_mem>>
      %dma_start3A = arith.constant 0 : i32
      %dma_start3A_99 = tpu.memref_slice %arg7[%add3A_40, %dma_start3A] : memref<10240x64xf32, #tpu.memory_space<vmem_shared>> -> memref<64x64xf32, #tpu.memory_space<vmem_shared>>
      %dma_start3A_100 = arith.constant 0 : i32
      %dma_start3A_101 = tpu.memref_slice %arg7[%add3A_40, %dma_start3A_100] : memref<10240x64xf32, #tpu.memory_space<vmem_shared>> -> memref<64x64xf32, #tpu.memory_space<vmem_shared>>
      tpu.enqueue_dma source(%arg8 : memref<64x64xf32, #tpu.memory_space<vmem>>) target(%dma_start3A_101 : memref<64x64xf32, #tpu.memory_space<vmem_shared>>) target_semaphore(%run_scoped3A : memref<!tpu.dma_semaphore, #tpu.memory_space<semaphore_mem>>)
      %dma_wait3A = arith.constant 0 : i32
      %dma_wait3A_102 = tpu.memref_slice %arg7[%add3A_40, %dma_wait3A] : memref<10240x64xf32, #tpu.memory_space<vmem_shared>> -> memref<64x64xf32, #tpu.memory_space<vmem_shared>>
      %dma_wait3A_103 = arith.constant 0 : i32
      %dma_wait3A_104 = tpu.memref_slice %arg7[%add3A_40, %dma_wait3A_103] : memref<10240x64xf32, #tpu.memory_space<vmem_shared>> -> memref<64x64xf32, #tpu.memory_space<vmem_shared>>
      tpu.wait_dma2 semaphore(%run_scoped3A : memref<!tpu.dma_semaphore, #tpu.memory_space<semaphore_mem>>) src(%arg8 : memref<64x64xf32, #tpu.memory_space<vmem>>) dst(%dma_wait3A_104 : memref<64x64xf32, #tpu.memory_space<vmem_shared>>)
      tpu.yield
    }) : () -> ()
    %mul3A_41 = arith.constant 640 : i32
    %mul3A_42 = arith.muli %arg1, %mul3A_41 : i32
    %add3A_43 = arith.constant 512 : i32
    %add3A_44 = arith.addi %mul3A_42, %add3A_43 : i32
    "tpu.region"() ({
      %run_scoped3A = tpu.sem_alloc : memref<!tpu.dma_semaphore, #tpu.memory_space<semaphore_mem>>
      %dma_start3A = arith.constant 0 : i32
      %dma_start3A_99 = tpu.memref_slice %arg7[%add3A_44, %dma_start3A] : memref<10240x64xf32, #tpu.memory_space<vmem_shared>> -> memref<64x64xf32, #tpu.memory_space<vmem_shared>>
      %dma_start3A_100 = arith.constant 0 : i32
      %dma_start3A_101 = tpu.memref_slice %arg7[%add3A_44, %dma_start3A_100] : memref<10240x64xf32, #tpu.memory_space<vmem_shared>> -> memref<64x64xf32, #tpu.memory_space<vmem_shared>>
      tpu.enqueue_dma source(%arg8 : memref<64x64xf32, #tpu.memory_space<vmem>>) target(%dma_start3A_101 : memref<64x64xf32, #tpu.memory_space<vmem_shared>>) target_semaphore(%run_scoped3A : memref<!tpu.dma_semaphore, #tpu.memory_space<semaphore_mem>>)
      %dma_wait3A = arith.constant 0 : i32
      %dma_wait3A_102 = tpu.memref_slice %arg7[%add3A_44, %dma_wait3A] : memref<10240x64xf32, #tpu.memory_space<vmem_shared>> -> memref<64x64xf32, #tpu.memory_space<vmem_shared>>
      %dma_wait3A_103 = arith.constant 0 : i32
      %dma_wait3A_104 = tpu.memref_slice %arg7[%add3A_44, %dma_wait3A_103] : memref<10240x64xf32, #tpu.memory_space<vmem_shared>> -> memref<64x64xf32, #tpu.memory_space<vmem_shared>>
      tpu.wait_dma2 semaphore(%run_scoped3A : memref<!tpu.dma_semaphore, #tpu.memory_space<semaphore_mem>>) src(%arg8 : memref<64x64xf32, #tpu.memory_space<vmem>>) dst(%dma_wait3A_104 : memref<64x64xf32, #tpu.memory_space<vmem_shared>>)
      tpu.yield
    }) : () -> ()
    %mul3A_45 = arith.constant 640 : i32
    %mul3A_46 = arith.muli %arg1, %mul3A_45 : i32
    %add3A_47 = arith.constant 576 : i32
    %add3A_48 = arith.addi %mul3A_46, %add3A_47 : i32
    "tpu.region"() ({
      %run_scoped3A = tpu.sem_alloc : memref<!tpu.dma_semaphore, #tpu.memory_space<semaphore_mem>>
      %dma_start3A = arith.constant 0 : i32
      %dma_start3A_99 = tpu.memref_slice %arg7[%add3A_48, %dma_start3A] : memref<10240x64xf32, #tpu.memory_space<vmem_shared>> -> memref<64x64xf32, #tpu.memory_space<vmem_shared>>
      %dma_start3A_100 = arith.constant 0 : i32
      %dma_start3A_101 = tpu.memref_slice %arg7[%add3A_48, %dma_start3A_100] : memref<10240x64xf32, #tpu.memory_space<vmem_shared>> -> memref<64x64xf32, #tpu.memory_space<vmem_shared>>
      tpu.enqueue_dma source(%arg8 : memref<64x64xf32, #tpu.memory_space<vmem>>) target(%dma_start3A_101 : memref<64x64xf32, #tpu.memory_space<vmem_shared>>) target_semaphore(%run_scoped3A : memref<!tpu.dma_semaphore, #tpu.memory_space<semaphore_mem>>)
      %dma_wait3A = arith.constant 0 : i32
      %dma_wait3A_102 = tpu.memref_slice %arg7[%add3A_48, %dma_wait3A] : memref<10240x64xf32, #tpu.memory_space<vmem_shared>> -> memref<64x64xf32, #tpu.memory_space<vmem_shared>>
      %dma_wait3A_103 = arith.constant 0 : i32
      %dma_wait3A_104 = tpu.memref_slice %arg7[%add3A_48, %dma_wait3A_103] : memref<10240x64xf32, #tpu.memory_space<vmem_shared>> -> memref<64x64xf32, #tpu.memory_space<vmem_shared>>
      tpu.wait_dma2 semaphore(%run_scoped3A : memref<!tpu.dma_semaphore, #tpu.memory_space<semaphore_mem>>) src(%arg8 : memref<64x64xf32, #tpu.memory_space<vmem>>) dst(%dma_wait3A_104 : memref<64x64xf32, #tpu.memory_space<vmem_shared>>)
      tpu.yield
    }) : () -> ()
    %barrier3A = arith.constant 0 : index
    tpu.barrier barrier_id(%barrier3A)
    %mul3A_49 = arith.constant 20480 : i32
    %mul3A_50 = arith.muli %arg1, %mul3A_49 : i32
    %scan3A_51 = arith.constant 0 : i32
    %scan3A_52 = arith.constant 0 : i32
    %scan3A_53 = arith.constant 64 : i32
    %scan3A_54 = arith.addi %scan3A_52, %scan3A_53 : i32
    %scan3A_55 = arith.constant 1 : i32
    %scan3A_56 = scf.for %scan3A_99 = %scan3A_52 to %scan3A_54 step %scan3A_55 iter_args(%scan3A_100 = %scan3A_51) -> (i32)  : i32 {
      %mul3A_101 = arith.constant 320 : i32
      %mul3A_102 = arith.muli %scan3A_99, %mul3A_101 : i32
      %add3A_103 = arith.addi %mul3A_50, %mul3A_102 : i32
      %add3A_104 = arith.constant 0 : i32
      %add3A_105 = arith.addi %add3A_103, %add3A_104 : i32
      %dma_start3A = tpu.memref_slice %arg3[%add3A_105] : memref<327680xi32, #tpu.memory_space<hbm>> -> memref<64xi32, #tpu.memory_space<hbm>>
      %dma_start3A_106 = tpu.memref_slice %arg3[%add3A_105] : memref<327680xi32, #tpu.memory_space<hbm>> -> memref<64xi32, #tpu.memory_space<hbm>>
      tpu.enqueue_dma source(%dma_start3A_106 : memref<64xi32, #tpu.memory_space<hbm>>) target(%arg13 : memref<64xi32, #tpu.memory_space<vmem>>) target_semaphore(%arg23 : memref<!tpu.dma_semaphore, #tpu.memory_space<semaphore_mem>>)
      %add3A_107 = arith.constant 0 : i32
      %add3A_108 = arith.addi %add3A_103, %add3A_107 : i32
      %dma_start3A_109 = tpu.memref_slice %arg4[%add3A_108] : memref<327680xi32, #tpu.memory_space<hbm>> -> memref<64xi32, #tpu.memory_space<hbm>>
      %dma_start3A_110 = tpu.memref_slice %arg4[%add3A_108] : memref<327680xi32, #tpu.memory_space<hbm>> -> memref<64xi32, #tpu.memory_space<hbm>>
      tpu.enqueue_dma source(%dma_start3A_110 : memref<64xi32, #tpu.memory_space<hbm>>) target(%arg18 : memref<64xi32, #tpu.memory_space<vmem>>) target_semaphore(%arg28 : memref<!tpu.dma_semaphore, #tpu.memory_space<semaphore_mem>>)
      %add3A_111 = arith.constant 64 : i32
      %add3A_112 = arith.addi %add3A_103, %add3A_111 : i32
      %dma_start3A_113 = tpu.memref_slice %arg3[%add3A_112] : memref<327680xi32, #tpu.memory_space<hbm>> -> memref<64xi32, #tpu.memory_space<hbm>>
      %dma_start3A_114 = tpu.memref_slice %arg3[%add3A_112] : memref<327680xi32, #tpu.memory_space<hbm>> -> memref<64xi32, #tpu.memory_space<hbm>>
      tpu.enqueue_dma source(%dma_start3A_114 : memref<64xi32, #tpu.memory_space<hbm>>) target(%arg14 : memref<64xi32, #tpu.memory_space<vmem>>) target_semaphore(%arg24 : memref<!tpu.dma_semaphore, #tpu.memory_space<semaphore_mem>>)
      %add3A_115 = arith.constant 64 : i32
      %add3A_116 = arith.addi %add3A_103, %add3A_115 : i32
      %dma_start3A_117 = tpu.memref_slice %arg4[%add3A_116] : memref<327680xi32, #tpu.memory_space<hbm>> -> memref<64xi32, #tpu.memory_space<hbm>>
      %dma_start3A_118 = tpu.memref_slice %arg4[%add3A_116] : memref<327680xi32, #tpu.memory_space<hbm>> -> memref<64xi32, #tpu.memory_space<hbm>>
      tpu.enqueue_dma source(%dma_start3A_118 : memref<64xi32, #tpu.memory_space<hbm>>) target(%arg19 : memref<64xi32, #tpu.memory_space<vmem>>) target_semaphore(%arg29 : memref<!tpu.dma_semaphore, #tpu.memory_space<semaphore_mem>>)
      %add3A_119 = arith.constant 128 : i32
      %add3A_120 = arith.addi %add3A_103, %add3A_119 : i32
      %dma_start3A_121 = tpu.memref_slice %arg3[%add3A_120] : memref<327680xi32, #tpu.memory_space<hbm>> -> memref<64xi32, #tpu.memory_space<hbm>>
      %dma_start3A_122 = tpu.memref_slice %arg3[%add3A_120] : memref<327680xi32, #tpu.memory_space<hbm>> -> memref<64xi32, #tpu.memory_space<hbm>>
      tpu.enqueue_dma source(%dma_start3A_122 : memref<64xi32, #tpu.memory_space<hbm>>) target(%arg15 : memref<64xi32, #tpu.memory_space<vmem>>) target_semaphore(%arg25 : memref<!tpu.dma_semaphore, #tpu.memory_space<semaphore_mem>>)
      %add3A_123 = arith.constant 128 : i32
      %add3A_124 = arith.addi %add3A_103, %add3A_123 : i32
      %dma_start3A_125 = tpu.memref_slice %arg4[%add3A_124] : memref<327680xi32, #tpu.memory_space<hbm>> -> memref<64xi32, #tpu.memory_space<hbm>>
      %dma_start3A_126 = tpu.memref_slice %arg4[%add3A_124] : memref<327680xi32, #tpu.memory_space<hbm>> -> memref<64xi32, #tpu.memory_space<hbm>>
      tpu.enqueue_dma source(%dma_start3A_126 : memref<64xi32, #tpu.memory_space<hbm>>) target(%arg20 : memref<64xi32, #tpu.memory_space<vmem>>) target_semaphore(%arg30 : memref<!tpu.dma_semaphore, #tpu.memory_space<semaphore_mem>>)
      %add3A_127 = arith.constant 192 : i32
      %add3A_128 = arith.addi %add3A_103, %add3A_127 : i32
      %dma_start3A_129 = tpu.memref_slice %arg3[%add3A_128] : memref<327680xi32, #tpu.memory_space<hbm>> -> memref<64xi32, #tpu.memory_space<hbm>>
      %dma_start3A_130 = tpu.memref_slice %arg3[%add3A_128] : memref<327680xi32, #tpu.memory_space<hbm>> -> memref<64xi32, #tpu.memory_space<hbm>>
      tpu.enqueue_dma source(%dma_start3A_130 : memref<64xi32, #tpu.memory_space<hbm>>) target(%arg16 : memref<64xi32, #tpu.memory_space<vmem>>) target_semaphore(%arg26 : memref<!tpu.dma_semaphore, #tpu.memory_space<semaphore_mem>>)
      %add3A_131 = arith.constant 192 : i32
      %add3A_132 = arith.addi %add3A_103, %add3A_131 : i32
      %dma_start3A_133 = tpu.memref_slice %arg4[%add3A_132] : memref<327680xi32, #tpu.memory_space<hbm>> -> memref<64xi32, #tpu.memory_space<hbm>>
      %dma_start3A_134 = tpu.memref_slice %arg4[%add3A_132] : memref<327680xi32, #tpu.memory_space<hbm>> -> memref<64xi32, #tpu.memory_space<hbm>>
      tpu.enqueue_dma source(%dma_start3A_134 : memref<64xi32, #tpu.memory_space<hbm>>) target(%arg21 : memref<64xi32, #tpu.memory_space<vmem>>) target_semaphore(%arg31 : memref<!tpu.dma_semaphore, #tpu.memory_space<semaphore_mem>>)
      %add3A_135 = arith.constant 256 : i32
      %add3A_136 = arith.addi %add3A_103, %add3A_135 : i32
      %dma_start3A_137 = tpu.memref_slice %arg3[%add3A_136] : memref<327680xi32, #tpu.memory_space<hbm>> -> memref<64xi32, #tpu.memory_space<hbm>>
      %dma_start3A_138 = tpu.memref_slice %arg3[%add3A_136] : memref<327680xi32, #tpu.memory_space<hbm>> -> memref<64xi32, #tpu.memory_space<hbm>>
      tpu.enqueue_dma source(%dma_start3A_138 : memref<64xi32, #tpu.memory_space<hbm>>) target(%arg17 : memref<64xi32, #tpu.memory_space<vmem>>) target_semaphore(%arg27 : memref<!tpu.dma_semaphore, #tpu.memory_space<semaphore_mem>>)
      %add3A_139 = arith.constant 256 : i32
      %add3A_140 = arith.addi %add3A_103, %add3A_139 : i32
      %dma_start3A_141 = tpu.memref_slice %arg4[%add3A_140] : memref<327680xi32, #tpu.memory_space<hbm>> -> memref<64xi32, #tpu.memory_space<hbm>>
      %dma_start3A_142 = tpu.memref_slice %arg4[%add3A_140] : memref<327680xi32, #tpu.memory_space<hbm>> -> memref<64xi32, #tpu.memory_space<hbm>>
      tpu.enqueue_dma source(%dma_start3A_142 : memref<64xi32, #tpu.memory_space<hbm>>) target(%arg22 : memref<64xi32, #tpu.memory_space<vmem>>) target_semaphore(%arg32 : memref<!tpu.dma_semaphore, #tpu.memory_space<semaphore_mem>>)
      %dma_wait3A = tpu.memref_slice %arg3[%add3A_105] : memref<327680xi32, #tpu.memory_space<hbm>> -> memref<64xi32, #tpu.memory_space<hbm>>
      %dma_wait3A_143 = tpu.memref_slice %arg3[%add3A_105] : memref<327680xi32, #tpu.memory_space<hbm>> -> memref<64xi32, #tpu.memory_space<hbm>>
      tpu.wait_dma2 semaphore(%arg23 : memref<!tpu.dma_semaphore, #tpu.memory_space<semaphore_mem>>) src(%dma_wait3A_143 : memref<64xi32, #tpu.memory_space<hbm>>) dst(%arg13 : memref<64xi32, #tpu.memory_space<vmem>>)
      %dma_start3A_144 = arith.constant 0 : i32
      %dma_start3A_145 = arith.constant 0 : i32
      %dma_start3A_146 = tpu.memref_slice %arg6[%dma_start3A_144, %dma_start3A_145] : memref<10240x64xf32, #tpu.memory_space<vmem_shared>> -> memref<10240x64xf32, #tpu.memory_space<vmem_shared>>
      tpu.enqueue_indirect_dma source(%dma_start3A_146 : memref<10240x64xf32, #tpu.memory_space<vmem_shared>>) target(%arg8 : memref<64x64xf32, #tpu.memory_space<vmem>>) offsets(%arg13 : memref<64xi32, #tpu.memory_space<vmem>>) semaphore(%arg33 : memref<!tpu.dma_semaphore, #tpu.memory_space<semaphore_mem>>)
      %dma_wait3A_147 = tpu.memref_slice %arg3[%add3A_112] : memref<327680xi32, #tpu.memory_space<hbm>> -> memref<64xi32, #tpu.memory_space<hbm>>
      %dma_wait3A_148 = tpu.memref_slice %arg3[%add3A_112] : memref<327680xi32, #tpu.memory_space<hbm>> -> memref<64xi32, #tpu.memory_space<hbm>>
      tpu.wait_dma2 semaphore(%arg24 : memref<!tpu.dma_semaphore, #tpu.memory_space<semaphore_mem>>) src(%dma_wait3A_148 : memref<64xi32, #tpu.memory_space<hbm>>) dst(%arg14 : memref<64xi32, #tpu.memory_space<vmem>>)
      %dma_start3A_149 = arith.constant 0 : i32
      %dma_start3A_150 = arith.constant 0 : i32
      %dma_start3A_151 = tpu.memref_slice %arg6[%dma_start3A_149, %dma_start3A_150] : memref<10240x64xf32, #tpu.memory_space<vmem_shared>> -> memref<10240x64xf32, #tpu.memory_space<vmem_shared>>
      tpu.enqueue_indirect_dma source(%dma_start3A_151 : memref<10240x64xf32, #tpu.memory_space<vmem_shared>>) target(%arg9 : memref<64x64xf32, #tpu.memory_space<vmem>>) offsets(%arg14 : memref<64xi32, #tpu.memory_space<vmem>>) semaphore(%arg34 : memref<!tpu.dma_semaphore, #tpu.memory_space<semaphore_mem>>)
      %dma_wait3A_152 = tpu.memref_slice %arg3[%add3A_120] : memref<327680xi32, #tpu.memory_space<hbm>> -> memref<64xi32, #tpu.memory_space<hbm>>
      %dma_wait3A_153 = tpu.memref_slice %arg3[%add3A_120] : memref<327680xi32, #tpu.memory_space<hbm>> -> memref<64xi32, #tpu.memory_space<hbm>>
      tpu.wait_dma2 semaphore(%arg25 : memref<!tpu.dma_semaphore, #tpu.memory_space<semaphore_mem>>) src(%dma_wait3A_153 : memref<64xi32, #tpu.memory_space<hbm>>) dst(%arg15 : memref<64xi32, #tpu.memory_space<vmem>>)
      %dma_start3A_154 = arith.constant 0 : i32
      %dma_start3A_155 = arith.constant 0 : i32
      %dma_start3A_156 = tpu.memref_slice %arg6[%dma_start3A_154, %dma_start3A_155] : memref<10240x64xf32, #tpu.memory_space<vmem_shared>> -> memref<10240x64xf32, #tpu.memory_space<vmem_shared>>
      tpu.enqueue_indirect_dma source(%dma_start3A_156 : memref<10240x64xf32, #tpu.memory_space<vmem_shared>>) target(%arg10 : memref<64x64xf32, #tpu.memory_space<vmem>>) offsets(%arg15 : memref<64xi32, #tpu.memory_space<vmem>>) semaphore(%arg35 : memref<!tpu.dma_semaphore, #tpu.memory_space<semaphore_mem>>)
      %dma_wait3A_157 = tpu.memref_slice %arg3[%add3A_128] : memref<327680xi32, #tpu.memory_space<hbm>> -> memref<64xi32, #tpu.memory_space<hbm>>
      %dma_wait3A_158 = tpu.memref_slice %arg3[%add3A_128] : memref<327680xi32, #tpu.memory_space<hbm>> -> memref<64xi32, #tpu.memory_space<hbm>>
      tpu.wait_dma2 semaphore(%arg26 : memref<!tpu.dma_semaphore, #tpu.memory_space<semaphore_mem>>) src(%dma_wait3A_158 : memref<64xi32, #tpu.memory_space<hbm>>) dst(%arg16 : memref<64xi32, #tpu.memory_space<vmem>>)
      %dma_start3A_159 = arith.constant 0 : i32
      %dma_start3A_160 = arith.constant 0 : i32
      %dma_start3A_161 = tpu.memref_slice %arg6[%dma_start3A_159, %dma_start3A_160] : memref<10240x64xf32, #tpu.memory_space<vmem_shared>> -> memref<10240x64xf32, #tpu.memory_space<vmem_shared>>
      tpu.enqueue_indirect_dma source(%dma_start3A_161 : memref<10240x64xf32, #tpu.memory_space<vmem_shared>>) target(%arg11 : memref<64x64xf32, #tpu.memory_space<vmem>>) offsets(%arg16 : memref<64xi32, #tpu.memory_space<vmem>>) semaphore(%arg36 : memref<!tpu.dma_semaphore, #tpu.memory_space<semaphore_mem>>)
      %dma_wait3A_162 = tpu.memref_slice %arg3[%add3A_136] : memref<327680xi32, #tpu.memory_space<hbm>> -> memref<64xi32, #tpu.memory_space<hbm>>
      %dma_wait3A_163 = tpu.memref_slice %arg3[%add3A_136] : memref<327680xi32, #tpu.memory_space<hbm>> -> memref<64xi32, #tpu.memory_space<hbm>>
      tpu.wait_dma2 semaphore(%arg27 : memref<!tpu.dma_semaphore, #tpu.memory_space<semaphore_mem>>) src(%dma_wait3A_163 : memref<64xi32, #tpu.memory_space<hbm>>) dst(%arg17 : memref<64xi32, #tpu.memory_space<vmem>>)
      %dma_start3A_164 = arith.constant 0 : i32
      %dma_start3A_165 = arith.constant 0 : i32
      %dma_start3A_166 = tpu.memref_slice %arg6[%dma_start3A_164, %dma_start3A_165] : memref<10240x64xf32, #tpu.memory_space<vmem_shared>> -> memref<10240x64xf32, #tpu.memory_space<vmem_shared>>
      tpu.enqueue_indirect_dma source(%dma_start3A_166 : memref<10240x64xf32, #tpu.memory_space<vmem_shared>>) target(%arg12 : memref<64x64xf32, #tpu.memory_space<vmem>>) offsets(%arg17 : memref<64xi32, #tpu.memory_space<vmem>>) semaphore(%arg37 : memref<!tpu.dma_semaphore, #tpu.memory_space<semaphore_mem>>)
      %dma_wait3A_167 = arith.constant 0 : i32
      %dma_wait3A_168 = arith.constant 0 : i32
      %dma_wait3A_169 = tpu.memref_slice %arg6[%dma_wait3A_167, %dma_wait3A_168] : memref<10240x64xf32, #tpu.memory_space<vmem_shared>> -> memref<10240x64xf32, #tpu.memory_space<vmem_shared>>
      tpu.wait_indirect_dma semaphore(%arg33 : memref<!tpu.dma_semaphore, #tpu.memory_space<semaphore_mem>>) src(%dma_wait3A_169 : memref<10240x64xf32, #tpu.memory_space<vmem_shared>>) dst(%arg8 : memref<64x64xf32, #tpu.memory_space<vmem>>)
      %dma_wait3A_170 = tpu.memref_slice %arg4[%add3A_108] : memref<327680xi32, #tpu.memory_space<hbm>> -> memref<64xi32, #tpu.memory_space<hbm>>
      %dma_wait3A_171 = tpu.memref_slice %arg4[%add3A_108] : memref<327680xi32, #tpu.memory_space<hbm>> -> memref<64xi32, #tpu.memory_space<hbm>>
      tpu.wait_dma2 semaphore(%arg28 : memref<!tpu.dma_semaphore, #tpu.memory_space<semaphore_mem>>) src(%dma_wait3A_171 : memref<64xi32, #tpu.memory_space<hbm>>) dst(%arg18 : memref<64xi32, #tpu.memory_space<vmem>>)
      %dma_start3A_172 = arith.constant 0 : i32
      %dma_start3A_173 = arith.constant 0 : i32
      %dma_start3A_174 = tpu.memref_slice %arg7[%dma_start3A_172, %dma_start3A_173] : memref<10240x64xf32, #tpu.memory_space<vmem_shared>> -> memref<10240x64xf32, #tpu.memory_space<vmem_shared>>
      tpu.enqueue_indirect_dma source(%arg8 : memref<64x64xf32, #tpu.memory_space<vmem>>) target(%dma_start3A_174 : memref<10240x64xf32, #tpu.memory_space<vmem_shared>>) offsets(%arg18 : memref<64xi32, #tpu.memory_space<vmem>>) semaphore(%arg38 : memref<!tpu.dma_semaphore, #tpu.memory_space<semaphore_mem>>) {add = true}
      %dma_wait3A_175 = arith.constant 0 : i32
      %dma_wait3A_176 = arith.constant 0 : i32
      %dma_wait3A_177 = tpu.memref_slice %arg6[%dma_wait3A_175, %dma_wait3A_176] : memref<10240x64xf32, #tpu.memory_space<vmem_shared>> -> memref<10240x64xf32, #tpu.memory_space<vmem_shared>>
      tpu.wait_indirect_dma semaphore(%arg34 : memref<!tpu.dma_semaphore, #tpu.memory_space<semaphore_mem>>) src(%dma_wait3A_177 : memref<10240x64xf32, #tpu.memory_space<vmem_shared>>) dst(%arg9 : memref<64x64xf32, #tpu.memory_space<vmem>>)
      %dma_wait3A_178 = tpu.memref_slice %arg4[%add3A_116] : memref<327680xi32, #tpu.memory_space<hbm>> -> memref<64xi32, #tpu.memory_space<hbm>>
      %dma_wait3A_179 = tpu.memref_slice %arg4[%add3A_116] : memref<327680xi32, #tpu.memory_space<hbm>> -> memref<64xi32, #tpu.memory_space<hbm>>
      tpu.wait_dma2 semaphore(%arg29 : memref<!tpu.dma_semaphore, #tpu.memory_space<semaphore_mem>>) src(%dma_wait3A_179 : memref<64xi32, #tpu.memory_space<hbm>>) dst(%arg19 : memref<64xi32, #tpu.memory_space<vmem>>)
      %dma_wait3A_180 = arith.constant 0 : i32
      %dma_wait3A_181 = arith.constant 0 : i32
      %dma_wait3A_182 = tpu.memref_slice %arg7[%dma_wait3A_180, %dma_wait3A_181] : memref<10240x64xf32, #tpu.memory_space<vmem_shared>> -> memref<10240x64xf32, #tpu.memory_space<vmem_shared>>
      tpu.wait_indirect_dma semaphore(%arg38 : memref<!tpu.dma_semaphore, #tpu.memory_space<semaphore_mem>>) src(%arg8 : memref<64x64xf32, #tpu.memory_space<vmem>>) dst(%dma_wait3A_182 : memref<10240x64xf32, #tpu.memory_space<vmem_shared>>)
      %dma_start3A_183 = arith.constant 0 : i32
      %dma_start3A_184 = arith.constant 0 : i32
      %dma_start3A_185 = tpu.memref_slice %arg7[%dma_start3A_183, %dma_start3A_184] : memref<10240x64xf32, #tpu.memory_space<vmem_shared>> -> memref<10240x64xf32, #tpu.memory_space<vmem_shared>>
      tpu.enqueue_indirect_dma source(%arg9 : memref<64x64xf32, #tpu.memory_space<vmem>>) target(%dma_start3A_185 : memref<10240x64xf32, #tpu.memory_space<vmem_shared>>) offsets(%arg19 : memref<64xi32, #tpu.memory_space<vmem>>) semaphore(%arg39 : memref<!tpu.dma_semaphore, #tpu.memory_space<semaphore_mem>>) {add = true}
      %dma_wait3A_186 = arith.constant 0 : i32
      %dma_wait3A_187 = arith.constant 0 : i32
      %dma_wait3A_188 = tpu.memref_slice %arg6[%dma_wait3A_186, %dma_wait3A_187] : memref<10240x64xf32, #tpu.memory_space<vmem_shared>> -> memref<10240x64xf32, #tpu.memory_space<vmem_shared>>
      tpu.wait_indirect_dma semaphore(%arg35 : memref<!tpu.dma_semaphore, #tpu.memory_space<semaphore_mem>>) src(%dma_wait3A_188 : memref<10240x64xf32, #tpu.memory_space<vmem_shared>>) dst(%arg10 : memref<64x64xf32, #tpu.memory_space<vmem>>)
      %dma_wait3A_189 = tpu.memref_slice %arg4[%add3A_124] : memref<327680xi32, #tpu.memory_space<hbm>> -> memref<64xi32, #tpu.memory_space<hbm>>
      %dma_wait3A_190 = tpu.memref_slice %arg4[%add3A_124] : memref<327680xi32, #tpu.memory_space<hbm>> -> memref<64xi32, #tpu.memory_space<hbm>>
      tpu.wait_dma2 semaphore(%arg30 : memref<!tpu.dma_semaphore, #tpu.memory_space<semaphore_mem>>) src(%dma_wait3A_190 : memref<64xi32, #tpu.memory_space<hbm>>) dst(%arg20 : memref<64xi32, #tpu.memory_space<vmem>>)
      %dma_wait3A_191 = arith.constant 0 : i32
      %dma_wait3A_192 = arith.constant 0 : i32
      %dma_wait3A_193 = tpu.memref_slice %arg7[%dma_wait3A_191, %dma_wait3A_192] : memref<10240x64xf32, #tpu.memory_space<vmem_shared>> -> memref<10240x64xf32, #tpu.memory_space<vmem_shared>>
      tpu.wait_indirect_dma semaphore(%arg39 : memref<!tpu.dma_semaphore, #tpu.memory_space<semaphore_mem>>) src(%arg9 : memref<64x64xf32, #tpu.memory_space<vmem>>) dst(%dma_wait3A_193 : memref<10240x64xf32, #tpu.memory_space<vmem_shared>>)
      %dma_start3A_194 = arith.constant 0 : i32
      %dma_start3A_195 = arith.constant 0 : i32
      %dma_start3A_196 = tpu.memref_slice %arg7[%dma_start3A_194, %dma_start3A_195] : memref<10240x64xf32, #tpu.memory_space<vmem_shared>> -> memref<10240x64xf32, #tpu.memory_space<vmem_shared>>
      tpu.enqueue_indirect_dma source(%arg10 : memref<64x64xf32, #tpu.memory_space<vmem>>) target(%dma_start3A_196 : memref<10240x64xf32, #tpu.memory_space<vmem_shared>>) offsets(%arg20 : memref<64xi32, #tpu.memory_space<vmem>>) semaphore(%arg40 : memref<!tpu.dma_semaphore, #tpu.memory_space<semaphore_mem>>) {add = true}
      %dma_wait3A_197 = arith.constant 0 : i32
      %dma_wait3A_198 = arith.constant 0 : i32
      %dma_wait3A_199 = tpu.memref_slice %arg6[%dma_wait3A_197, %dma_wait3A_198] : memref<10240x64xf32, #tpu.memory_space<vmem_shared>> -> memref<10240x64xf32, #tpu.memory_space<vmem_shared>>
      tpu.wait_indirect_dma semaphore(%arg36 : memref<!tpu.dma_semaphore, #tpu.memory_space<semaphore_mem>>) src(%dma_wait3A_199 : memref<10240x64xf32, #tpu.memory_space<vmem_shared>>) dst(%arg11 : memref<64x64xf32, #tpu.memory_space<vmem>>)
      %dma_wait3A_200 = tpu.memref_slice %arg4[%add3A_132] : memref<327680xi32, #tpu.memory_space<hbm>> -> memref<64xi32, #tpu.memory_space<hbm>>
      %dma_wait3A_201 = tpu.memref_slice %arg4[%add3A_132] : memref<327680xi32, #tpu.memory_space<hbm>> -> memref<64xi32, #tpu.memory_space<hbm>>
      tpu.wait_dma2 semaphore(%arg31 : memref<!tpu.dma_semaphore, #tpu.memory_space<semaphore_mem>>) src(%dma_wait3A_201 : memref<64xi32, #tpu.memory_space<hbm>>) dst(%arg21 : memref<64xi32, #tpu.memory_space<vmem>>)
      %dma_wait3A_202 = arith.constant 0 : i32
      %dma_wait3A_203 = arith.constant 0 : i32
      %dma_wait3A_204 = tpu.memref_slice %arg7[%dma_wait3A_202, %dma_wait3A_203] : memref<10240x64xf32, #tpu.memory_space<vmem_shared>> -> memref<10240x64xf32, #tpu.memory_space<vmem_shared>>
      tpu.wait_indirect_dma semaphore(%arg40 : memref<!tpu.dma_semaphore, #tpu.memory_space<semaphore_mem>>) src(%arg10 : memref<64x64xf32, #tpu.memory_space<vmem>>) dst(%dma_wait3A_204 : memref<10240x64xf32, #tpu.memory_space<vmem_shared>>)
      %dma_start3A_205 = arith.constant 0 : i32
      %dma_start3A_206 = arith.constant 0 : i32
      %dma_start3A_207 = tpu.memref_slice %arg7[%dma_start3A_205, %dma_start3A_206] : memref<10240x64xf32, #tpu.memory_space<vmem_shared>> -> memref<10240x64xf32, #tpu.memory_space<vmem_shared>>
      tpu.enqueue_indirect_dma source(%arg11 : memref<64x64xf32, #tpu.memory_space<vmem>>) target(%dma_start3A_207 : memref<10240x64xf32, #tpu.memory_space<vmem_shared>>) offsets(%arg21 : memref<64xi32, #tpu.memory_space<vmem>>) semaphore(%arg41 : memref<!tpu.dma_semaphore, #tpu.memory_space<semaphore_mem>>) {add = true}
      %dma_wait3A_208 = arith.constant 0 : i32
      %dma_wait3A_209 = arith.constant 0 : i32
      %dma_wait3A_210 = tpu.memref_slice %arg6[%dma_wait3A_208, %dma_wait3A_209] : memref<10240x64xf32, #tpu.memory_space<vmem_shared>> -> memref<10240x64xf32, #tpu.memory_space<vmem_shared>>
      tpu.wait_indirect_dma semaphore(%arg37 : memref<!tpu.dma_semaphore, #tpu.memory_space<semaphore_mem>>) src(%dma_wait3A_210 : memref<10240x64xf32, #tpu.memory_space<vmem_shared>>) dst(%arg12 : memref<64x64xf32, #tpu.memory_space<vmem>>)
      %dma_wait3A_211 = tpu.memref_slice %arg4[%add3A_140] : memref<327680xi32, #tpu.memory_space<hbm>> -> memref<64xi32, #tpu.memory_space<hbm>>
      %dma_wait3A_212 = tpu.memref_slice %arg4[%add3A_140] : memref<327680xi32, #tpu.memory_space<hbm>> -> memref<64xi32, #tpu.memory_space<hbm>>
      tpu.wait_dma2 semaphore(%arg32 : memref<!tpu.dma_semaphore, #tpu.memory_space<semaphore_mem>>) src(%dma_wait3A_212 : memref<64xi32, #tpu.memory_space<hbm>>) dst(%arg22 : memref<64xi32, #tpu.memory_space<vmem>>)
      %dma_wait3A_213 = arith.constant 0 : i32
      %dma_wait3A_214 = arith.constant 0 : i32
      %dma_wait3A_215 = tpu.memref_slice %arg7[%dma_wait3A_213, %dma_wait3A_214] : memref<10240x64xf32, #tpu.memory_space<vmem_shared>> -> memref<10240x64xf32, #tpu.memory_space<vmem_shared>>
      tpu.wait_indirect_dma semaphore(%arg41 : memref<!tpu.dma_semaphore, #tpu.memory_space<semaphore_mem>>) src(%arg11 : memref<64x64xf32, #tpu.memory_space<vmem>>) dst(%dma_wait3A_215 : memref<10240x64xf32, #tpu.memory_space<vmem_shared>>)
      %dma_start3A_216 = arith.constant 0 : i32
      %dma_start3A_217 = arith.constant 0 : i32
      %dma_start3A_218 = tpu.memref_slice %arg7[%dma_start3A_216, %dma_start3A_217] : memref<10240x64xf32, #tpu.memory_space<vmem_shared>> -> memref<10240x64xf32, #tpu.memory_space<vmem_shared>>
      tpu.enqueue_indirect_dma source(%arg12 : memref<64x64xf32, #tpu.memory_space<vmem>>) target(%dma_start3A_218 : memref<10240x64xf32, #tpu.memory_space<vmem_shared>>) offsets(%arg22 : memref<64xi32, #tpu.memory_space<vmem>>) semaphore(%arg42 : memref<!tpu.dma_semaphore, #tpu.memory_space<semaphore_mem>>) {add = true}
      %dma_wait3A_219 = arith.constant 0 : i32
      %dma_wait3A_220 = arith.constant 0 : i32
      %dma_wait3A_221 = tpu.memref_slice %arg7[%dma_wait3A_219, %dma_wait3A_220] : memref<10240x64xf32, #tpu.memory_space<vmem_shared>> -> memref<10240x64xf32, #tpu.memory_space<vmem_shared>>
      tpu.wait_indirect_dma semaphore(%arg42 : memref<!tpu.dma_semaphore, #tpu.memory_space<semaphore_mem>>) src(%arg12 : memref<64x64xf32, #tpu.memory_space<vmem>>) dst(%dma_wait3A_221 : memref<10240x64xf32, #tpu.memory_space<vmem_shared>>)
      %scan3A_222 = arith.constant 0 : i32
      scf.yield %scan3A_222 : i32
    }
    %scan3A_57 = arith.constant 64 : i32
    %barrier3A_58 = arith.constant 0 : index
    tpu.barrier barrier_id(%barrier3A_58)
    %mul3A_59 = arith.constant 640 : i32
    %mul3A_60 = arith.muli %arg1, %mul3A_59 : i32
    %add3A_61 = arith.constant 0 : i32
    %add3A_62 = arith.addi %mul3A_60, %add3A_61 : i32
    "tpu.region"() ({
      %run_scoped3A = tpu.sem_alloc : memref<!tpu.dma_semaphore, #tpu.memory_space<semaphore_mem>>
      %dma_start3A = arith.constant 0 : i32
      %dma_start3A_99 = tpu.memref_slice %arg5[%arg0, %add3A_62, %dma_start3A] : memref<2x10240x64xf32, #tpu.memory_space<hbm>> -> memref<1x64x64xf32, #tpu.memory_space<hbm>>
      %dma_start3A_100 = tpu.memref_squeeze %dma_start3A_99 : memref<1x64x64xf32, #tpu.memory_space<hbm>> -> memref<64x64xf32, #tpu.memory_space<hbm>>
      %dma_start3A_101 = arith.constant 0 : i32
      %dma_start3A_102 = tpu.memref_slice %arg7[%add3A_62, %dma_start3A_101] : memref<10240x64xf32, #tpu.memory_space<vmem_shared>> -> memref<64x64xf32, #tpu.memory_space<vmem_shared>>
      tpu.enqueue_dma source(%dma_start3A_102 : memref<64x64xf32, #tpu.memory_space<vmem_shared>>) target(%dma_start3A_100 : memref<64x64xf32, #tpu.memory_space<hbm>>) target_semaphore(%run_scoped3A : memref<!tpu.dma_semaphore, #tpu.memory_space<semaphore_mem>>)
      %dma_wait3A = arith.constant 0 : i32
      %dma_wait3A_103 = tpu.memref_slice %arg5[%arg0, %add3A_62, %dma_wait3A] : memref<2x10240x64xf32, #tpu.memory_space<hbm>> -> memref<1x64x64xf32, #tpu.memory_space<hbm>>
      %dma_wait3A_104 = tpu.memref_squeeze %dma_wait3A_103 : memref<1x64x64xf32, #tpu.memory_space<hbm>> -> memref<64x64xf32, #tpu.memory_space<hbm>>
      %dma_wait3A_105 = arith.constant 0 : i32
      %dma_wait3A_106 = tpu.memref_slice %arg7[%add3A_62, %dma_wait3A_105] : memref<10240x64xf32, #tpu.memory_space<vmem_shared>> -> memref<64x64xf32, #tpu.memory_space<vmem_shared>>
      tpu.wait_dma2 semaphore(%run_scoped3A : memref<!tpu.dma_semaphore, #tpu.memory_space<semaphore_mem>>) src(%dma_wait3A_106 : memref<64x64xf32, #tpu.memory_space<vmem_shared>>) dst(%dma_wait3A_104 : memref<64x64xf32, #tpu.memory_space<hbm>>)
      tpu.yield
    }) : () -> ()
    %mul3A_63 = arith.constant 640 : i32
    %mul3A_64 = arith.muli %arg1, %mul3A_63 : i32
    %add3A_65 = arith.constant 64 : i32
    %add3A_66 = arith.addi %mul3A_64, %add3A_65 : i32
    "tpu.region"() ({
      %run_scoped3A = tpu.sem_alloc : memref<!tpu.dma_semaphore, #tpu.memory_space<semaphore_mem>>
      %dma_start3A = arith.constant 0 : i32
      %dma_start3A_99 = tpu.memref_slice %arg5[%arg0, %add3A_66, %dma_start3A] : memref<2x10240x64xf32, #tpu.memory_space<hbm>> -> memref<1x64x64xf32, #tpu.memory_space<hbm>>
      %dma_start3A_100 = tpu.memref_squeeze %dma_start3A_99 : memref<1x64x64xf32, #tpu.memory_space<hbm>> -> memref<64x64xf32, #tpu.memory_space<hbm>>
      %dma_start3A_101 = arith.constant 0 : i32
      %dma_start3A_102 = tpu.memref_slice %arg7[%add3A_66, %dma_start3A_101] : memref<10240x64xf32, #tpu.memory_space<vmem_shared>> -> memref<64x64xf32, #tpu.memory_space<vmem_shared>>
      tpu.enqueue_dma source(%dma_start3A_102 : memref<64x64xf32, #tpu.memory_space<vmem_shared>>) target(%dma_start3A_100 : memref<64x64xf32, #tpu.memory_space<hbm>>) target_semaphore(%run_scoped3A : memref<!tpu.dma_semaphore, #tpu.memory_space<semaphore_mem>>)
      %dma_wait3A = arith.constant 0 : i32
      %dma_wait3A_103 = tpu.memref_slice %arg5[%arg0, %add3A_66, %dma_wait3A] : memref<2x10240x64xf32, #tpu.memory_space<hbm>> -> memref<1x64x64xf32, #tpu.memory_space<hbm>>
      %dma_wait3A_104 = tpu.memref_squeeze %dma_wait3A_103 : memref<1x64x64xf32, #tpu.memory_space<hbm>> -> memref<64x64xf32, #tpu.memory_space<hbm>>
      %dma_wait3A_105 = arith.constant 0 : i32
      %dma_wait3A_106 = tpu.memref_slice %arg7[%add3A_66, %dma_wait3A_105] : memref<10240x64xf32, #tpu.memory_space<vmem_shared>> -> memref<64x64xf32, #tpu.memory_space<vmem_shared>>
      tpu.wait_dma2 semaphore(%run_scoped3A : memref<!tpu.dma_semaphore, #tpu.memory_space<semaphore_mem>>) src(%dma_wait3A_106 : memref<64x64xf32, #tpu.memory_space<vmem_shared>>) dst(%dma_wait3A_104 : memref<64x64xf32, #tpu.memory_space<hbm>>)
      tpu.yield
    }) : () -> ()
    %mul3A_67 = arith.constant 640 : i32
    %mul3A_68 = arith.muli %arg1, %mul3A_67 : i32
    %add3A_69 = arith.constant 128 : i32
    %add3A_70 = arith.addi %mul3A_68, %add3A_69 : i32
    "tpu.region"() ({
      %run_scoped3A = tpu.sem_alloc : memref<!tpu.dma_semaphore, #tpu.memory_space<semaphore_mem>>
      %dma_start3A = arith.constant 0 : i32
      %dma_start3A_99 = tpu.memref_slice %arg5[%arg0, %add3A_70, %dma_start3A] : memref<2x10240x64xf32, #tpu.memory_space<hbm>> -> memref<1x64x64xf32, #tpu.memory_space<hbm>>
      %dma_start3A_100 = tpu.memref_squeeze %dma_start3A_99 : memref<1x64x64xf32, #tpu.memory_space<hbm>> -> memref<64x64xf32, #tpu.memory_space<hbm>>
      %dma_start3A_101 = arith.constant 0 : i32
      %dma_start3A_102 = tpu.memref_slice %arg7[%add3A_70, %dma_start3A_101] : memref<10240x64xf32, #tpu.memory_space<vmem_shared>> -> memref<64x64xf32, #tpu.memory_space<vmem_shared>>
      tpu.enqueue_dma source(%dma_start3A_102 : memref<64x64xf32, #tpu.memory_space<vmem_shared>>) target(%dma_start3A_100 : memref<64x64xf32, #tpu.memory_space<hbm>>) target_semaphore(%run_scoped3A : memref<!tpu.dma_semaphore, #tpu.memory_space<semaphore_mem>>)
      %dma_wait3A = arith.constant 0 : i32
      %dma_wait3A_103 = tpu.memref_slice %arg5[%arg0, %add3A_70, %dma_wait3A] : memref<2x10240x64xf32, #tpu.memory_space<hbm>> -> memref<1x64x64xf32, #tpu.memory_space<hbm>>
      %dma_wait3A_104 = tpu.memref_squeeze %dma_wait3A_103 : memref<1x64x64xf32, #tpu.memory_space<hbm>> -> memref<64x64xf32, #tpu.memory_space<hbm>>
      %dma_wait3A_105 = arith.constant 0 : i32
      %dma_wait3A_106 = tpu.memref_slice %arg7[%add3A_70, %dma_wait3A_105] : memref<10240x64xf32, #tpu.memory_space<vmem_shared>> -> memref<64x64xf32, #tpu.memory_space<vmem_shared>>
      tpu.wait_dma2 semaphore(%run_scoped3A : memref<!tpu.dma_semaphore, #tpu.memory_space<semaphore_mem>>) src(%dma_wait3A_106 : memref<64x64xf32, #tpu.memory_space<vmem_shared>>) dst(%dma_wait3A_104 : memref<64x64xf32, #tpu.memory_space<hbm>>)
      tpu.yield
    }) : () -> ()
    %mul3A_71 = arith.constant 640 : i32
    %mul3A_72 = arith.muli %arg1, %mul3A_71 : i32
    %add3A_73 = arith.constant 192 : i32
    %add3A_74 = arith.addi %mul3A_72, %add3A_73 : i32
    "tpu.region"() ({
      %run_scoped3A = tpu.sem_alloc : memref<!tpu.dma_semaphore, #tpu.memory_space<semaphore_mem>>
      %dma_start3A = arith.constant 0 : i32
      %dma_start3A_99 = tpu.memref_slice %arg5[%arg0, %add3A_74, %dma_start3A] : memref<2x10240x64xf32, #tpu.memory_space<hbm>> -> memref<1x64x64xf32, #tpu.memory_space<hbm>>
      %dma_start3A_100 = tpu.memref_squeeze %dma_start3A_99 : memref<1x64x64xf32, #tpu.memory_space<hbm>> -> memref<64x64xf32, #tpu.memory_space<hbm>>
      %dma_start3A_101 = arith.constant 0 : i32
      %dma_start3A_102 = tpu.memref_slice %arg7[%add3A_74, %dma_start3A_101] : memref<10240x64xf32, #tpu.memory_space<vmem_shared>> -> memref<64x64xf32, #tpu.memory_space<vmem_shared>>
      tpu.enqueue_dma source(%dma_start3A_102 : memref<64x64xf32, #tpu.memory_space<vmem_shared>>) target(%dma_start3A_100 : memref<64x64xf32, #tpu.memory_space<hbm>>) target_semaphore(%run_scoped3A : memref<!tpu.dma_semaphore, #tpu.memory_space<semaphore_mem>>)
      %dma_wait3A = arith.constant 0 : i32
      %dma_wait3A_103 = tpu.memref_slice %arg5[%arg0, %add3A_74, %dma_wait3A] : memref<2x10240x64xf32, #tpu.memory_space<hbm>> -> memref<1x64x64xf32, #tpu.memory_space<hbm>>
      %dma_wait3A_104 = tpu.memref_squeeze %dma_wait3A_103 : memref<1x64x64xf32, #tpu.memory_space<hbm>> -> memref<64x64xf32, #tpu.memory_space<hbm>>
      %dma_wait3A_105 = arith.constant 0 : i32
      %dma_wait3A_106 = tpu.memref_slice %arg7[%add3A_74, %dma_wait3A_105] : memref<10240x64xf32, #tpu.memory_space<vmem_shared>> -> memref<64x64xf32, #tpu.memory_space<vmem_shared>>
      tpu.wait_dma2 semaphore(%run_scoped3A : memref<!tpu.dma_semaphore, #tpu.memory_space<semaphore_mem>>) src(%dma_wait3A_106 : memref<64x64xf32, #tpu.memory_space<vmem_shared>>) dst(%dma_wait3A_104 : memref<64x64xf32, #tpu.memory_space<hbm>>)
      tpu.yield
    }) : () -> ()
    %mul3A_75 = arith.constant 640 : i32
    %mul3A_76 = arith.muli %arg1, %mul3A_75 : i32
    %add3A_77 = arith.constant 256 : i32
    %add3A_78 = arith.addi %mul3A_76, %add3A_77 : i32
    "tpu.region"() ({
      %run_scoped3A = tpu.sem_alloc : memref<!tpu.dma_semaphore, #tpu.memory_space<semaphore_mem>>
      %dma_start3A = arith.constant 0 : i32
      %dma_start3A_99 = tpu.memref_slice %arg5[%arg0, %add3A_78, %dma_start3A] : memref<2x10240x64xf32, #tpu.memory_space<hbm>> -> memref<1x64x64xf32, #tpu.memory_space<hbm>>
      %dma_start3A_100 = tpu.memref_squeeze %dma_start3A_99 : memref<1x64x64xf32, #tpu.memory_space<hbm>> -> memref<64x64xf32, #tpu.memory_space<hbm>>
      %dma_start3A_101 = arith.constant 0 : i32
      %dma_start3A_102 = tpu.memref_slice %arg7[%add3A_78, %dma_start3A_101] : memref<10240x64xf32, #tpu.memory_space<vmem_shared>> -> memref<64x64xf32, #tpu.memory_space<vmem_shared>>
      tpu.enqueue_dma source(%dma_start3A_102 : memref<64x64xf32, #tpu.memory_space<vmem_shared>>) target(%dma_start3A_100 : memref<64x64xf32, #tpu.memory_space<hbm>>) target_semaphore(%run_scoped3A : memref<!tpu.dma_semaphore, #tpu.memory_space<semaphore_mem>>)
      %dma_wait3A = arith.constant 0 : i32
      %dma_wait3A_103 = tpu.memref_slice %arg5[%arg0, %add3A_78, %dma_wait3A] : memref<2x10240x64xf32, #tpu.memory_space<hbm>> -> memref<1x64x64xf32, #tpu.memory_space<hbm>>
      %dma_wait3A_104 = tpu.memref_squeeze %dma_wait3A_103 : memref<1x64x64xf32, #tpu.memory_space<hbm>> -> memref<64x64xf32, #tpu.memory_space<hbm>>
      %dma_wait3A_105 = arith.constant 0 : i32
      %dma_wait3A_106 = tpu.memref_slice %arg7[%add3A_78, %dma_wait3A_105] : memref<10240x64xf32, #tpu.memory_space<vmem_shared>> -> memref<64x64xf32, #tpu.memory_space<vmem_shared>>
      tpu.wait_dma2 semaphore(%run_scoped3A : memref<!tpu.dma_semaphore, #tpu.memory_space<semaphore_mem>>) src(%dma_wait3A_106 : memref<64x64xf32, #tpu.memory_space<vmem_shared>>) dst(%dma_wait3A_104 : memref<64x64xf32, #tpu.memory_space<hbm>>)
      tpu.yield
    }) : () -> ()
    %mul3A_79 = arith.constant 640 : i32
    %mul3A_80 = arith.muli %arg1, %mul3A_79 : i32
    %add3A_81 = arith.constant 320 : i32
    %add3A_82 = arith.addi %mul3A_80, %add3A_81 : i32
    "tpu.region"() ({
      %run_scoped3A = tpu.sem_alloc : memref<!tpu.dma_semaphore, #tpu.memory_space<semaphore_mem>>
      %dma_start3A = arith.constant 0 : i32
      %dma_start3A_99 = tpu.memref_slice %arg5[%arg0, %add3A_82, %dma_start3A] : memref<2x10240x64xf32, #tpu.memory_space<hbm>> -> memref<1x64x64xf32, #tpu.memory_space<hbm>>
      %dma_start3A_100 = tpu.memref_squeeze %dma_start3A_99 : memref<1x64x64xf32, #tpu.memory_space<hbm>> -> memref<64x64xf32, #tpu.memory_space<hbm>>
      %dma_start3A_101 = arith.constant 0 : i32
      %dma_start3A_102 = tpu.memref_slice %arg7[%add3A_82, %dma_start3A_101] : memref<10240x64xf32, #tpu.memory_space<vmem_shared>> -> memref<64x64xf32, #tpu.memory_space<vmem_shared>>
      tpu.enqueue_dma source(%dma_start3A_102 : memref<64x64xf32, #tpu.memory_space<vmem_shared>>) target(%dma_start3A_100 : memref<64x64xf32, #tpu.memory_space<hbm>>) target_semaphore(%run_scoped3A : memref<!tpu.dma_semaphore, #tpu.memory_space<semaphore_mem>>)
      %dma_wait3A = arith.constant 0 : i32
      %dma_wait3A_103 = tpu.memref_slice %arg5[%arg0, %add3A_82, %dma_wait3A] : memref<2x10240x64xf32, #tpu.memory_space<hbm>> -> memref<1x64x64xf32, #tpu.memory_space<hbm>>
      %dma_wait3A_104 = tpu.memref_squeeze %dma_wait3A_103 : memref<1x64x64xf32, #tpu.memory_space<hbm>> -> memref<64x64xf32, #tpu.memory_space<hbm>>
      %dma_wait3A_105 = arith.constant 0 : i32
      %dma_wait3A_106 = tpu.memref_slice %arg7[%add3A_82, %dma_wait3A_105] : memref<10240x64xf32, #tpu.memory_space<vmem_shared>> -> memref<64x64xf32, #tpu.memory_space<vmem_shared>>
      tpu.wait_dma2 semaphore(%run_scoped3A : memref<!tpu.dma_semaphore, #tpu.memory_space<semaphore_mem>>) src(%dma_wait3A_106 : memref<64x64xf32, #tpu.memory_space<vmem_shared>>) dst(%dma_wait3A_104 : memref<64x64xf32, #tpu.memory_space<hbm>>)
      tpu.yield
    }) : () -> ()
    %mul3A_83 = arith.constant 640 : i32
    %mul3A_84 = arith.muli %arg1, %mul3A_83 : i32
    %add3A_85 = arith.constant 384 : i32
    %add3A_86 = arith.addi %mul3A_84, %add3A_85 : i32
    "tpu.region"() ({
      %run_scoped3A = tpu.sem_alloc : memref<!tpu.dma_semaphore, #tpu.memory_space<semaphore_mem>>
      %dma_start3A = arith.constant 0 : i32
      %dma_start3A_99 = tpu.memref_slice %arg5[%arg0, %add3A_86, %dma_start3A] : memref<2x10240x64xf32, #tpu.memory_space<hbm>> -> memref<1x64x64xf32, #tpu.memory_space<hbm>>
      %dma_start3A_100 = tpu.memref_squeeze %dma_start3A_99 : memref<1x64x64xf32, #tpu.memory_space<hbm>> -> memref<64x64xf32, #tpu.memory_space<hbm>>
      %dma_start3A_101 = arith.constant 0 : i32
      %dma_start3A_102 = tpu.memref_slice %arg7[%add3A_86, %dma_start3A_101] : memref<10240x64xf32, #tpu.memory_space<vmem_shared>> -> memref<64x64xf32, #tpu.memory_space<vmem_shared>>
      tpu.enqueue_dma source(%dma_start3A_102 : memref<64x64xf32, #tpu.memory_space<vmem_shared>>) target(%dma_start3A_100 : memref<64x64xf32, #tpu.memory_space<hbm>>) target_semaphore(%run_scoped3A : memref<!tpu.dma_semaphore, #tpu.memory_space<semaphore_mem>>)
      %dma_wait3A = arith.constant 0 : i32
      %dma_wait3A_103 = tpu.memref_slice %arg5[%arg0, %add3A_86, %dma_wait3A] : memref<2x10240x64xf32, #tpu.memory_space<hbm>> -> memref<1x64x64xf32, #tpu.memory_space<hbm>>
      %dma_wait3A_104 = tpu.memref_squeeze %dma_wait3A_103 : memref<1x64x64xf32, #tpu.memory_space<hbm>> -> memref<64x64xf32, #tpu.memory_space<hbm>>
      %dma_wait3A_105 = arith.constant 0 : i32
      %dma_wait3A_106 = tpu.memref_slice %arg7[%add3A_86, %dma_wait3A_105] : memref<10240x64xf32, #tpu.memory_space<vmem_shared>> -> memref<64x64xf32, #tpu.memory_space<vmem_shared>>
      tpu.wait_dma2 semaphore(%run_scoped3A : memref<!tpu.dma_semaphore, #tpu.memory_space<semaphore_mem>>) src(%dma_wait3A_106 : memref<64x64xf32, #tpu.memory_space<vmem_shared>>) dst(%dma_wait3A_104 : memref<64x64xf32, #tpu.memory_space<hbm>>)
      tpu.yield
    }) : () -> ()
    %mul3A_87 = arith.constant 640 : i32
    %mul3A_88 = arith.muli %arg1, %mul3A_87 : i32
    %add3A_89 = arith.constant 448 : i32
    %add3A_90 = arith.addi %mul3A_88, %add3A_89 : i32
    "tpu.region"() ({
      %run_scoped3A = tpu.sem_alloc : memref<!tpu.dma_semaphore, #tpu.memory_space<semaphore_mem>>
      %dma_start3A = arith.constant 0 : i32
      %dma_start3A_99 = tpu.memref_slice %arg5[%arg0, %add3A_90, %dma_start3A] : memref<2x10240x64xf32, #tpu.memory_space<hbm>> -> memref<1x64x64xf32, #tpu.memory_space<hbm>>
      %dma_start3A_100 = tpu.memref_squeeze %dma_start3A_99 : memref<1x64x64xf32, #tpu.memory_space<hbm>> -> memref<64x64xf32, #tpu.memory_space<hbm>>
      %dma_start3A_101 = arith.constant 0 : i32
      %dma_start3A_102 = tpu.memref_slice %arg7[%add3A_90, %dma_start3A_101] : memref<10240x64xf32, #tpu.memory_space<vmem_shared>> -> memref<64x64xf32, #tpu.memory_space<vmem_shared>>
      tpu.enqueue_dma source(%dma_start3A_102 : memref<64x64xf32, #tpu.memory_space<vmem_shared>>) target(%dma_start3A_100 : memref<64x64xf32, #tpu.memory_space<hbm>>) target_semaphore(%run_scoped3A : memref<!tpu.dma_semaphore, #tpu.memory_space<semaphore_mem>>)
      %dma_wait3A = arith.constant 0 : i32
      %dma_wait3A_103 = tpu.memref_slice %arg5[%arg0, %add3A_90, %dma_wait3A] : memref<2x10240x64xf32, #tpu.memory_space<hbm>> -> memref<1x64x64xf32, #tpu.memory_space<hbm>>
      %dma_wait3A_104 = tpu.memref_squeeze %dma_wait3A_103 : memref<1x64x64xf32, #tpu.memory_space<hbm>> -> memref<64x64xf32, #tpu.memory_space<hbm>>
      %dma_wait3A_105 = arith.constant 0 : i32
      %dma_wait3A_106 = tpu.memref_slice %arg7[%add3A_90, %dma_wait3A_105] : memref<10240x64xf32, #tpu.memory_space<vmem_shared>> -> memref<64x64xf32, #tpu.memory_space<vmem_shared>>
      tpu.wait_dma2 semaphore(%run_scoped3A : memref<!tpu.dma_semaphore, #tpu.memory_space<semaphore_mem>>) src(%dma_wait3A_106 : memref<64x64xf32, #tpu.memory_space<vmem_shared>>) dst(%dma_wait3A_104 : memref<64x64xf32, #tpu.memory_space<hbm>>)
      tpu.yield
    }) : () -> ()
    %mul3A_91 = arith.constant 640 : i32
    %mul3A_92 = arith.muli %arg1, %mul3A_91 : i32
    %add3A_93 = arith.constant 512 : i32
    %add3A_94 = arith.addi %mul3A_92, %add3A_93 : i32
    "tpu.region"() ({
      %run_scoped3A = tpu.sem_alloc : memref<!tpu.dma_semaphore, #tpu.memory_space<semaphore_mem>>
      %dma_start3A = arith.constant 0 : i32
      %dma_start3A_99 = tpu.memref_slice %arg5[%arg0, %add3A_94, %dma_start3A] : memref<2x10240x64xf32, #tpu.memory_space<hbm>> -> memref<1x64x64xf32, #tpu.memory_space<hbm>>
      %dma_start3A_100 = tpu.memref_squeeze %dma_start3A_99 : memref<1x64x64xf32, #tpu.memory_space<hbm>> -> memref<64x64xf32, #tpu.memory_space<hbm>>
      %dma_start3A_101 = arith.constant 0 : i32
      %dma_start3A_102 = tpu.memref_slice %arg7[%add3A_94, %dma_start3A_101] : memref<10240x64xf32, #tpu.memory_space<vmem_shared>> -> memref<64x64xf32, #tpu.memory_space<vmem_shared>>
      tpu.enqueue_dma source(%dma_start3A_102 : memref<64x64xf32, #tpu.memory_space<vmem_shared>>) target(%dma_start3A_100 : memref<64x64xf32, #tpu.memory_space<hbm>>) target_semaphore(%run_scoped3A : memref<!tpu.dma_semaphore, #tpu.memory_space<semaphore_mem>>)
      %dma_wait3A = arith.constant 0 : i32
      %dma_wait3A_103 = tpu.memref_slice %arg5[%arg0, %add3A_94, %dma_wait3A] : memref<2x10240x64xf32, #tpu.memory_space<hbm>> -> memref<1x64x64xf32, #tpu.memory_space<hbm>>
      %dma_wait3A_104 = tpu.memref_squeeze %dma_wait3A_103 : memref<1x64x64xf32, #tpu.memory_space<hbm>> -> memref<64x64xf32, #tpu.memory_space<hbm>>
      %dma_wait3A_105 = arith.constant 0 : i32
      %dma_wait3A_106 = tpu.memref_slice %arg7[%add3A_94, %dma_wait3A_105] : memref<10240x64xf32, #tpu.memory_space<vmem_shared>> -> memref<64x64xf32, #tpu.memory_space<vmem_shared>>
      tpu.wait_dma2 semaphore(%run_scoped3A : memref<!tpu.dma_semaphore, #tpu.memory_space<semaphore_mem>>) src(%dma_wait3A_106 : memref<64x64xf32, #tpu.memory_space<vmem_shared>>) dst(%dma_wait3A_104 : memref<64x64xf32, #tpu.memory_space<hbm>>)
      tpu.yield
    }) : () -> ()
    %mul3A_95 = arith.constant 640 : i32
    %mul3A_96 = arith.muli %arg1, %mul3A_95 : i32
    %add3A_97 = arith.constant 576 : i32
    %add3A_98 = arith.addi %mul3A_96, %add3A_97 : i32
    "tpu.region"() ({
      %run_scoped3A = tpu.sem_alloc : memref<!tpu.dma_semaphore, #tpu.memory_space<semaphore_mem>>
      %dma_start3A = arith.constant 0 : i32
      %dma_start3A_99 = tpu.memref_slice %arg5[%arg0, %add3A_98, %dma_start3A] : memref<2x10240x64xf32, #tpu.memory_space<hbm>> -> memref<1x64x64xf32, #tpu.memory_space<hbm>>
      %dma_start3A_100 = tpu.memref_squeeze %dma_start3A_99 : memref<1x64x64xf32, #tpu.memory_space<hbm>> -> memref<64x64xf32, #tpu.memory_space<hbm>>
      %dma_start3A_101 = arith.constant 0 : i32
      %dma_start3A_102 = tpu.memref_slice %arg7[%add3A_98, %dma_start3A_101] : memref<10240x64xf32, #tpu.memory_space<vmem_shared>> -> memref<64x64xf32, #tpu.memory_space<vmem_shared>>
      tpu.enqueue_dma source(%dma_start3A_102 : memref<64x64xf32, #tpu.memory_space<vmem_shared>>) target(%dma_start3A_100 : memref<64x64xf32, #tpu.memory_space<hbm>>) target_semaphore(%run_scoped3A : memref<!tpu.dma_semaphore, #tpu.memory_space<semaphore_mem>>)
      %dma_wait3A = arith.constant 0 : i32
      %dma_wait3A_103 = tpu.memref_slice %arg5[%arg0, %add3A_98, %dma_wait3A] : memref<2x10240x64xf32, #tpu.memory_space<hbm>> -> memref<1x64x64xf32, #tpu.memory_space<hbm>>
      %dma_wait3A_104 = tpu.memref_squeeze %dma_wait3A_103 : memref<1x64x64xf32, #tpu.memory_space<hbm>> -> memref<64x64xf32, #tpu.memory_space<hbm>>
      %dma_wait3A_105 = arith.constant 0 : i32
      %dma_wait3A_106 = tpu.memref_slice %arg7[%add3A_98, %dma_wait3A_105] : memref<10240x64xf32, #tpu.memory_space<vmem_shared>> -> memref<64x64xf32, #tpu.memory_space<vmem_shared>>
      tpu.wait_dma2 semaphore(%run_scoped3A : memref<!tpu.dma_semaphore, #tpu.memory_space<semaphore_mem>>) src(%dma_wait3A_106 : memref<64x64xf32, #tpu.memory_space<vmem_shared>>) dst(%dma_wait3A_104 : memref<64x64xf32, #tpu.memory_space<hbm>>)
      tpu.yield
    }) : () -> ()
    return
  }
}

module attributes {stable_mosaic.version = 14 : i64} {
  func.func @_lin_body(%arg0: i32, %arg1: memref<512x128xf32, #tpu.memory_space<vmem>>, %arg2: memref<128x128xf32, #tpu.memory_space<vmem>>, %arg3: memref<2x512x16xf32, #tpu.memory_space<vmem>>, %arg4: memref<2x512x64xf32, #tpu.memory_space<vmem>>) attributes {dimension_semantics = [#tpu.dimension_semantics<arbitrary>], iteration_bounds = array<i64: 20>, scalar_prefetch = 0 : i64, scratch_operands = 0 : i64, tpu.core_type = #tpu.core_type<tc>, window_params = [{transform_indices = @transform_0, window_bounds = array<i64: 512, 128>}, {pipeline_mode = #tpu.pipeline_mode<synchronous>, transform_indices = @transform_1, window_bounds = array<i64: 128, 128>}, {transform_indices = @transform_2, window_bounds = array<i64: 2, 512, 16>}, {transform_indices = @transform_3, window_bounds = array<i64: 2, 512, 64>}]} {
    %get3A = arith.constant 0 : index
    %get3A_0 = arith.constant 0 : index
    %get3A_1 = arith.constant 0 : index
    %get3A_2 = vector.load %arg3[%get3A, %get3A_0, %get3A_1] : memref<2x512x16xf32, #tpu.memory_space<vmem>>, vector<2x512x16xf32>
    %slice3A = vector.extract_strided_slice %get3A_2 {offsets = [0, 0, 0], sizes = [1, 512, 1], strides = [1, 1, 1]} : vector<2x512x16xf32> to vector<1x512x1xf32>
    %squeeze3A = vector.shape_cast %slice3A : vector<1x512x1xf32> to vector<512x1xf32>
    %add3A = arith.constant 1.000000e+00 : f32
    %add3A_3 = vector.broadcast %add3A : f32 to vector<512x1xf32>
    %add3A_4 = arith.addf %add3A_3, %squeeze3A : vector<512x1xf32>
    %slice3A_5 = vector.extract_strided_slice %get3A_2 {offsets = [1, 0, 0], sizes = [1, 512, 1], strides = [1, 1, 1]} : vector<2x512x16xf32> to vector<1x512x1xf32>
    %squeeze3A_6 = vector.shape_cast %slice3A_5 : vector<1x512x1xf32> to vector<512x1xf32>
    %add3A_7 = arith.addf %add3A_4, %squeeze3A_6 : vector<512x1xf32>
    %rsqrt3A = math.rsqrt %add3A_7 : vector<512x1xf32>
    %get3A_8 = arith.constant 0 : index
    %get3A_9 = arith.constant 0 : index
    %get3A_10 = vector.load %arg1[%get3A_8, %get3A_9] : memref<512x128xf32, #tpu.memory_space<vmem>>, vector<512x128xf32>
    %get3A_11 = arith.constant 0 : index
    %get3A_12 = arith.constant 0 : index
    %get3A_13 = vector.load %arg2[%get3A_11, %get3A_12] : memref<128x128xf32, #tpu.memory_space<vmem>>, vector<128x128xf32>
    %dot_general3A = arith.constant dense<0.000000e+00> : vector<512x128xf32>
    %dot_general3A_14 = tpu.matmul %get3A_10, %get3A_13, %dot_general3A {dimension_numbers = #tpu.dot_dimension_numbers<[1], [0], [0], [1], [0, 0, 1, 1], [], []>, transpose_lhs_hint = false} : vector<512x128xf32>, vector<128x128xf32>, vector<512x128xf32> -> vector<512x128xf32>
    %mul3A = vector.broadcast %rsqrt3A : vector<512x1xf32> to vector<512x128xf32>
    %mul3A_15 = arith.mulf %dot_general3A_14, %mul3A : vector<512x128xf32>
    %slice3A_16 = vector.extract_strided_slice %mul3A_15 {offsets = [0, 0], sizes = [512, 64], strides = [1, 1]} : vector<512x128xf32> to vector<512x64xf32>
    %swap3A = arith.constant 0 : index
    %swap3A_17 = arith.constant 0 : index
    %swap3A_18 = arith.constant 0 : index
    %swap3A_19 = vector.load %arg4[%swap3A, %swap3A_17, %swap3A_18] : memref<2x512x64xf32, #tpu.memory_space<vmem>>, vector<1x512x64xf32>
    %swap3A_20 = vector.shape_cast %swap3A_19 : vector<1x512x64xf32> to vector<512x64xf32>
    %swap3A_21 = vector.shape_cast %slice3A_16 : vector<512x64xf32> to vector<1x512x64xf32>
    tpu.vector_store %arg4[%swap3A, %swap3A_17, %swap3A_18], %swap3A_21 {strides = array<i32>} : memref<2x512x64xf32, #tpu.memory_space<vmem>>, vector<1x512x64xf32>,
    %slice3A_22 = vector.extract_strided_slice %mul3A_15 {offsets = [0, 64], sizes = [512, 64], strides = [1, 1]} : vector<512x128xf32> to vector<512x64xf32>
    %swap3A_23 = arith.constant 1 : index
    %swap3A_24 = arith.constant 0 : index
    %swap3A_25 = arith.constant 0 : index
    %swap3A_26 = vector.load %arg4[%swap3A_23, %swap3A_24, %swap3A_25] : memref<2x512x64xf32, #tpu.memory_space<vmem>>, vector<1x512x64xf32>
    %swap3A_27 = vector.shape_cast %swap3A_26 : vector<1x512x64xf32> to vector<512x64xf32>
    %swap3A_28 = vector.shape_cast %slice3A_22 : vector<512x64xf32> to vector<1x512x64xf32>
    tpu.vector_store %arg4[%swap3A_23, %swap3A_24, %swap3A_25], %swap3A_28 {strides = array<i32>} : memref<2x512x64xf32, #tpu.memory_space<vmem>>, vector<1x512x64xf32>,
    return
  }
  func.func @transform_0(%arg0: i32) -> (i32, i32) {
    %c0_i32 = arith.constant 0 : i32
    %c0_i32_0 = arith.constant 0 : i32
    return %arg0, %c0_i32 : i32, i32
  }
  func.func @transform_1(%arg0: i32) -> (i32, i32) {
    %c0_i32 = arith.constant 0 : i32
    %c0_i32_0 = arith.constant 0 : i32
    %c0_i32_1 = arith.constant 0 : i32
    return %c0_i32, %c0_i32_0 : i32, i32
  }
  func.func @transform_2(%arg0: i32) -> (i32, i32, i32) {
    %c0_i32 = arith.constant 0 : i32
    %c0_i32_0 = arith.constant 0 : i32
    %c0_i32_1 = arith.constant 0 : i32
    return %c0_i32, %arg0, %c0_i32_0 : i32, i32, i32
  }
  func.func @transform_3(%arg0: i32) -> (i32, i32, i32) {
    %c0_i32 = arith.constant 0 : i32
    %c0_i32_0 = arith.constant 0 : i32
    %c0_i32_1 = arith.constant 0 : i32
    return %c0_i32, %arg0, %c0_i32_0 : i32, i32, i32
  }
}

module attributes {stable_mosaic.version = 14 : i64} {
  func.func @_fin_body(%arg0: i32, %arg1: memref<2x512x64xf32, #tpu.memory_space<vmem>>, %arg2: memref<2x512x64xf32, #tpu.memory_space<vmem>>, %arg3: memref<2x512x16xf32, #tpu.memory_space<vmem>>, %arg4: memref<1x128xf32, #tpu.memory_space<vmem>>, %arg5: memref<1x128xf32, #tpu.memory_space<vmem>>, %arg6: memref<512x128xf32, #tpu.memory_space<vmem>>) attributes {dimension_semantics = [#tpu.dimension_semantics<arbitrary>], iteration_bounds = array<i64: 20>, scalar_prefetch = 0 : i64, scratch_operands = 0 : i64, tpu.core_type = #tpu.core_type<tc>, window_params = [{transform_indices = @transform_0, window_bounds = array<i64: 2, 512, 64>}, {transform_indices = @transform_1, window_bounds = array<i64: 2, 512, 64>}, {transform_indices = @transform_2, window_bounds = array<i64: 2, 512, 16>}, {pipeline_mode = #tpu.pipeline_mode<synchronous>, transform_indices = @transform_3, window_bounds = array<i64: 1, 128>}, {pipeline_mode = #tpu.pipeline_mode<synchronous>, transform_indices = @transform_4, window_bounds = array<i64: 1, 128>}, {transform_indices = @transform_5, window_bounds = array<i64: 512, 128>}]} {
    %get3A = arith.constant 0 : index
    %get3A_0 = arith.constant 0 : index
    %get3A_1 = arith.constant 0 : index
    %get3A_2 = vector.load %arg3[%get3A, %get3A_0, %get3A_1] : memref<2x512x16xf32, #tpu.memory_space<vmem>>, vector<2x512x16xf32>
    %slice3A = vector.extract_strided_slice %get3A_2 {offsets = [0, 0, 0], sizes = [1, 512, 1], strides = [1, 1, 1]} : vector<2x512x16xf32> to vector<1x512x1xf32>
    %squeeze3A = vector.shape_cast %slice3A : vector<1x512x1xf32> to vector<512x1xf32>
    %add3A = arith.constant 1.000000e+00 : f32
    %add3A_3 = vector.broadcast %add3A : f32 to vector<512x1xf32>
    %add3A_4 = arith.addf %add3A_3, %squeeze3A : vector<512x1xf32>
    %slice3A_5 = vector.extract_strided_slice %get3A_2 {offsets = [1, 0, 0], sizes = [1, 512, 1], strides = [1, 1, 1]} : vector<2x512x16xf32> to vector<1x512x1xf32>
    %squeeze3A_6 = vector.shape_cast %slice3A_5 : vector<1x512x1xf32> to vector<512x1xf32>
    %add3A_7 = arith.addf %add3A_4, %squeeze3A_6 : vector<512x1xf32>
    %rsqrt3A = math.rsqrt %add3A_7 : vector<512x1xf32>
    %get3A_8 = arith.constant 0 : index
    %get3A_9 = arith.constant 0 : index
    %get3A_10 = arith.constant 0 : index
    %get3A_11 = vector.load %arg1[%get3A_8, %get3A_9, %get3A_10] : memref<2x512x64xf32, #tpu.memory_space<vmem>>, vector<2x512x64xf32>
    %get3A_12 = arith.constant 0 : index
    %get3A_13 = arith.constant 0 : index
    %get3A_14 = arith.constant 0 : index
    %get3A_15 = vector.load %arg2[%get3A_12, %get3A_13, %get3A_14] : memref<2x512x64xf32, #tpu.memory_space<vmem>>, vector<2x512x64xf32>
    %slice3A_16 = vector.extract_strided_slice %get3A_11 {offsets = [0, 0, 0], sizes = [1, 512, 64], strides = [1, 1, 1]} : vector<2x512x64xf32> to vector<1x512x64xf32>
    %squeeze3A_17 = vector.shape_cast %slice3A_16 : vector<1x512x64xf32> to vector<512x64xf32>
    %slice3A_18 = vector.extract_strided_slice %get3A_15 {offsets = [0, 0, 0], sizes = [1, 512, 64], strides = [1, 1, 1]} : vector<2x512x64xf32> to vector<1x512x64xf32>
    %squeeze3A_19 = vector.shape_cast %slice3A_18 : vector<1x512x64xf32> to vector<512x64xf32>
    %add3A_20 = arith.addf %squeeze3A_17, %squeeze3A_19 : vector<512x64xf32>
    %slice3A_21 = vector.extract_strided_slice %get3A_11 {offsets = [1, 0, 0], sizes = [1, 512, 64], strides = [1, 1, 1]} : vector<2x512x64xf32> to vector<1x512x64xf32>
    %squeeze3A_22 = vector.shape_cast %slice3A_21 : vector<1x512x64xf32> to vector<512x64xf32>
    %slice3A_23 = vector.extract_strided_slice %get3A_15 {offsets = [1, 0, 0], sizes = [1, 512, 64], strides = [1, 1, 1]} : vector<2x512x64xf32> to vector<1x512x64xf32>
    %squeeze3A_24 = vector.shape_cast %slice3A_23 : vector<1x512x64xf32> to vector<512x64xf32>
    %add3A_25 = arith.addf %squeeze3A_22, %squeeze3A_24 : vector<512x64xf32>
    %concatenate3A = tpu.concatenate %add3A_20, %add3A_25 in 1 : vector<512x64xf32>, vector<512x64xf32> -> vector<512x128xf32>
    %mul3A = vector.broadcast %rsqrt3A : vector<512x1xf32> to vector<512x128xf32>
    %mul3A_26 = arith.mulf %mul3A, %concatenate3A : vector<512x128xf32>
    %get3A_27 = arith.constant 0 : index
    %get3A_28 = arith.constant 0 : index
    %get3A_29 = vector.load %arg4[%get3A_27, %get3A_28] : memref<1x128xf32, #tpu.memory_space<vmem>>, vector<1x128xf32>
    %add3A_30 = vector.broadcast %get3A_29 : vector<1x128xf32> to vector<512x128xf32>
    %add3A_31 = arith.addf %mul3A_26, %add3A_30 : vector<512x128xf32>
    %gt3A = arith.constant 0.000000e+00 : f32
    %gt3A_32 = vector.broadcast %gt3A : f32 to vector<512x128xf32>
    %gt3A_33 = arith.cmpf ogt, %add3A_31, %gt3A_32 : vector<512x128xf32>
    %get3A_34 = arith.constant 0 : index
    %get3A_35 = arith.constant 0 : index
    %get3A_36 = vector.load %arg5[%get3A_34, %get3A_35] : memref<1x128xf32, #tpu.memory_space<vmem>>, vector<1x128xf32>
    %mul3A_37 = vector.broadcast %get3A_36 : vector<1x128xf32> to vector<512x128xf32>
    %mul3A_38 = arith.mulf %mul3A_37, %add3A_31 : vector<512x128xf32>
    %select_n3A = arith.select %gt3A_33, %add3A_31, %mul3A_38 : vector<512x128xi1>, vector<512x128xf32>
    %swap3A = arith.constant 0 : index
    %swap3A_39 = arith.constant 0 : index
    %swap3A_40 = vector.load %arg6[%swap3A, %swap3A_39] : memref<512x128xf32, #tpu.memory_space<vmem>>, vector<512x128xf32>
    tpu.vector_store %arg6[%swap3A, %swap3A_39], %select_n3A {strides = array<i32>} : memref<512x128xf32, #tpu.memory_space<vmem>>, vector<512x128xf32>,
    return
  }
  func.func @transform_0(%arg0: i32) -> (i32, i32, i32) {
    %c0_i32 = arith.constant 0 : i32
    %c0_i32_0 = arith.constant 0 : i32
    %c0_i32_1 = arith.constant 0 : i32
    return %c0_i32, %arg0, %c0_i32_0 : i32, i32, i32
  }
  func.func @transform_1(%arg0: i32) -> (i32, i32, i32) {
    %c0_i32 = arith.constant 0 : i32
    %c0_i32_0 = arith.constant 0 : i32
    %c0_i32_1 = arith.constant 0 : i32
    return %c0_i32, %arg0, %c0_i32_0 : i32, i32, i32
  }
  func.func @transform_2(%arg0: i32) -> (i32, i32, i32) {
    %c0_i32 = arith.constant 0 : i32
    %c0_i32_0 = arith.constant 0 : i32
    %c0_i32_1 = arith.constant 0 : i32
    return %c0_i32, %arg0, %c0_i32_0 : i32, i32, i32
  }
  func.func @transform_3(%arg0: i32) -> (i32, i32) {
    %c0_i32 = arith.constant 0 : i32
    %c0_i32_0 = arith.constant 0 : i32
    %c0_i32_1 = arith.constant 0 : i32
    return %c0_i32, %c0_i32_0 : i32, i32
  }
  func.func @transform_4(%arg0: i32) -> (i32, i32) {
    %c0_i32 = arith.constant 0 : i32
    %c0_i32_0 = arith.constant 0 : i32
    %c0_i32_1 = arith.constant 0 : i32
    return %c0_i32, %c0_i32_0 : i32, i32
  }
  func.func @transform_5(%arg0: i32) -> (i32, i32) {
    %c0_i32 = arith.constant 0 : i32
    %c0_i32_0 = arith.constant 0 : i32
    return %arg0, %c0_i32 : i32, i32
  }
}

</mosaic_0001>

<sc_bundles>
// kernel: kernel.6.cloned.1.call-start
scs
__scs_entry_jumppad:
0x0: {  	(pc) =	sbr.rel $0x88, $3  }
0x1: {  	(tag) =	ssettag $0x0;
	lr =	simm.s32 $0x1  }
0x2: {  	[smem:$0x3F9C] =	sst lr;
	_ =	strace $0xD0000000  }
0x3: {  	_ = 	snop  }
0x4: {  	_ = 	snop  }
0x5: {  	_ = 	snop  }
0x6: {  	_ = 	snop  }
0x7: {  	_ = 	snop  }
__scs_overlays_trampoline_lowered:
0x8: {  	[smem:$0x3FAB] =	sst s0  }
0x9: {  	[smem:$0x3FAC] =	sst s1  }
0xa: {  	[smem:$0x3FAD] =	sst s2  }
0xb: {  	[smem:$0x3FAE] =	sst s3  }
0xc: {  	[smem:$0x3FAF] =	sst s4  }
0xd: {  	[smem:$0x3FB0] =	sst s5  }
0xe: {  	[smem:$0x3FB1] =	sst s6  }
0xf: {  	[smem:$0x3FB2] =	sst s7  }
0x10: {  	[smem:$0x3FB3] =	sst s8  }
0x11: {  	[smem:$0x3FB4] =	sst s9;
	s0 =	simm.s32 @!p0 $0x0  }
0x12: {  	s1 =	sld [smem:$0x3F9A];
	s0 =	simm.s32 @p0 $0x1  }
0x13: {  	[smem:$0x3FB5] =	sst s0;
	s0 =	simm.s32 @!p1 $0x0  }
0x14: {  	s2 =	sld [smem:$0x3F99];
	s0 =	simm.s32 @p1 $0x1  }
0x15: {  	[smem:$0x3FB6] =	sst s0;
	s0 =	simm.s32 @!p2 $0x0  }
0x16: {  	s3 =	sld [smem:$0x3FDB];
	s0 =	simm.s32 @p2 $0x1  }
0x17: {  	s4 =	simm.s32 $0x1BF5;
	[smem:$0x3FB8] =	sst s0  }
0x18: {  	s0 =	sld [smem:$0x3F9B];
	_ =	swait.ge [sflag:s4], $0x0  }
0x19: {  	s7 =	sld [smem:$0x3F9C]  }
0x1a: {  	s8 =	sadd.s32 $0xFFFFE003, lr  }
0x1b: {  	s9 =	sadd.s32 $0xFFFFFEF7, lr;
	s5 =	simm.s32 $0xFFFFFFFF;
	p2 =	slt.u32 s8, $0xFFFFF086  }
0x1c: {  	p1 =	slt.u32 s9, $0xF7A;
	s5 =	simm.s32 @!p2 $0x0  }
0x1d: {  	s5 =	simm.s32 @p1 $0x1;
	p0 =	seq.s32 s7, s2  }
0x1e: {  	s7 =	smul.u32 @!p0 $0xF7A, s2;
	p2 =	seq.s32 @!p0 s5, $0x0  }
0x1f: {  	s9 =	smul.u32 $0xF7A, s1;
	s8 =	simm.s32 @!p0 $0x1BF5;
	p2 =	por !p2, p0  }
0x20: {  	[sflag:s8] =	ssyncset.s32 @!p0 $0xFFFFF086;
	s6 =	sadd.s32 @!p0 s3, s7;
	s7 =	simm.s32 @!p0 $0x108  }
0x21: {  	s3 =	sadd.s32 s3, s9;
	s6 =	sadd.s32 @!p0 $0x88, s6;
	s7 =	simm.s32 @p2 $0x1082  }
0x22: {  	[simem:s7], [sflag:s8] =	dma.local @!p0 [hbm:s6], $0xF7A  }
0x23: {  	s9 =	sor.u32 $0xD0000000, s2;
	s6 =	simm.s32 $0x108;
	_ =	swait.ge @!p0 [sflag:s8], $0x0  }
0x24: {  	s3 =	sadd.s32 $0x88, s3;
	s6 =	simm.s32 @!p1 $0x1082;
	[sflag:s4] =	ssyncset.s32 $0xFFFFF086  }
0x25: {  	[simem:s6], [sflag:s4] =	dma.local [hbm:s3], $0xF7A  }
0x26: {  	[smem:$0x3F9C] =	sst s1;
	(tag) =	ssettag s2;
	_ =	strace s9  }
0x27: {  	s1 =	sld [smem:$0x3FAC]  }
0x28: {  	s2 =	sld [smem:$0x3FAD]  }
0x29: {  	s4 =	sld [smem:$0x3FAF]  }
0x2a: {  	p0 =	seq.s32 s5, $0x0;
	s5 =	sld [smem:$0x3FB0]  }
0x2b: {  	s6 =	sld [smem:$0x3FB1]  }
0x2c: {  	s7 =	sld [smem:$0x3FB2]  }
0x2d: {  	s3 =	simm.s32 $0x108;
	s8 =	sld [smem:$0x3FB3]  }
0x2e: {  	s3 =	simm.s32 @!p0 $0x1082;
	s9 =	sld [smem:$0x3FB4]  }
0x2f: {  	lr =	sadd.s32 s0, s3;
	s0 =	sld [smem:$0x3FAB]  }
0x30: {  	s3 =	sld [smem:$0x3FAE]  }
0x31: {  	[smem:$0x3FB7] =	sst s10  }
0x32: {  	s10 =	sld [smem:$0x3FB5];
	_ =	sdelay $0x3  }
0x33: {  	p0 =	seq.s32 s10, $0x1;
	s10 =	sld [smem:$0x3FB7];
	_ =	sdelay $0x3  }
0x34: {  	[smem:$0x3FB7] =	sst s10  }
0x35: {  	s10 =	sld [smem:$0x3FB6];
	_ =	sdelay $0x3  }
0x36: {  	p1 =	seq.s32 s10, $0x1;
	s10 =	sld [smem:$0x3FB7];
	_ =	sdelay $0x3  }
0x37: {  	[smem:$0x3FB7] =	sst s10  }
0x38: {  	s10 =	sld [smem:$0x3FB8]  }
0x39: {  	_ = 	snop;
	(pc) =	sbr.ind lr, $3  }
0x3a: {  	_ = 	snop  }
0x3b: {  	_ = 	snop  }
0x3c: {  	p2 =	seq.s32 s10, $0x1;
	s10 =	sld [smem:$0x3FB7]  }
0x3d: {  	_ =	shalt  }
0x3e: {  	_ =	shalt  }
0x3f: {  	_ =	shalt  }
0x40: {  	_ =	shalt  }
0x41: {  	_ =	shalt  }
0x42: {  	_ =	shalt  }
0x43: {  	_ =	shalt  }
0x44: {  	_ =	shalt  }
0x45: {  	_ =	shalt  }
0x46: {  	_ =	shalt  }
0x47: {  	_ =	shalt  }
0x48: {  	_ =	shalt  }
0x49: {  	_ =	shalt  }
0x4a: {  	_ =	shalt  }
0x4b: {  	_ =	shalt  }
0x4c: {  	_ =	shalt  }
0x4d: {  	_ =	shalt  }
0x4e: {  	_ =	shalt  }
0x4f: {  	_ =	shalt  }
0x50: {  	_ =	shalt  }
0x51: {  	_ =	shalt  }
0x52: {  	_ =	shalt  }
0x53: {  	_ =	shalt  }
0x54: {  	_ =	shalt  }
0x55: {  	_ =	shalt  }
0x56: {  	_ =	shalt  }
0x57: {  	_ =	shalt  }
0x58: {  	_ =	shalt  }
0x59: {  	_ =	shalt  }
0x5a: {  	_ =	shalt  }
0x5b: {  	_ =	shalt  }
0x5c: {  	_ =	shalt  }
0x5d: {  	_ =	shalt  }
0x5e: {  	_ =	shalt  }
0x5f: {  	_ =	shalt  }
0x60: {  	_ =	shalt  }
0x61: {  	_ =	shalt  }
0x62: {  	_ =	shalt  }
0x63: {  	_ =	shalt  }
0x64: {  	_ =	shalt  }
0x65: {  	_ =	shalt  }
0x66: {  	_ =	shalt  }
0x67: {  	_ =	shalt  }
0x68: {  	_ =	shalt  }
0x69: {  	_ =	shalt  }
0x6a: {  	_ =	shalt  }
0x6b: {  	_ =	shalt  }
0x6c: {  	_ =	shalt  }
0x6d: {  	_ =	shalt  }
0x6e: {  	_ =	shalt  }
0x6f: {  	_ =	shalt  }
0x70: {  	_ =	shalt  }
0x71: {  	_ =	shalt  }
0x72: {  	_ =	shalt  }
0x73: {  	_ =	shalt  }
0x74: {  	_ =	shalt  }
0x75: {  	_ =	shalt  }
0x76: {  	_ =	shalt  }
0x77: {  	_ =	shalt  }
0x78: {  	_ =	shalt  }
0x79: {  	_ =	shalt  }
0x7a: {  	_ =	shalt  }
0x7b: {  	_ =	shalt  }
0x7c: {  	_ =	shalt  }
0x7d: {  	_ =	shalt  }
0x7e: {  	_ =	shalt  }
0x7f: {  	_ =	shalt  }
0x80: {  	_ =	shalt  }
0x81: {  	_ =	shalt  }
0x82: {  	_ =	shalt  }
0x83: {  	_ =	shalt  }
0x84: {  	_ =	shalt  }
0x85: {  	_ =	shalt  }
0x86: {  	_ =	shalt  }
0x87: {  	_ =	shalt  }
.Lfunc_end0:
.L_simem_size_0:
called_computation_lowered:
.L_overlay_start_0:
0x88: {  	s2 =	sld [smem:$0x3FD9]  }
0x89: {  	s3 =	sld [smem:$0x3FFE];
	_ =	sdelay $0x1  }
0x8a: {  	s1 =	srdreg.scid  }
0x8b: {  	s0 =	sand.u32 $0x1, s1  }
0x8c: {  	s17 =	sshll.u32 s0, $0xA;
	s2 =	sadd.s32 s3, s2  }
0x8d: {  	s2 =	sadd.s32 s2, s17  }
0x8e: {  	[smem:$0x3FC3] =	sst s2  }
0x8f: {  	_ = 	snop  }
0x90: {  	s2 =	sld [smem:$0x3FD0];
	(tm) =	ssettm $0x1  }
0x91: {  	s18 =	sld [smem:$0x3FFB];
	_ =	sdelay $0x3  }
0x92: {  	_ =	strace s18  }
0x93: {  	s3 =	sld [smem:$0x3FFC];
	_ =	sdelay $0x3  }
0x94: {  	_ =	strace s3  }
0x95: {  	s3 =	sld [smem:$0x3FFD];
	_ =	sdelay $0x3  }
0x96: {  	_ =	strace s3  }
0x97: {  	_ =	strace $0x8FFFFFFF  }
0x98: {  	s19 =	sld [smem:$0x3FDB];
	_ =	sdelay $0x1  }
0x99: {  	s4 =	simm.s32 $_scs_section_size  }
0x9a: {  	s5 =	simm.s32 $_size__tile_overlayer_lowered;
	s6 =	simm.s32 $_tile_overlayer_lowered  }
0x9b: {  	s22 =	simm.s32 $0x1BFF;
	s21 =	sshll.u32 s6, $0x1;
	s3 =	sadd.s32 s4, s19  }
0x9c: {  	s7 =	simm.s32 $0x0;
	s20 =	sshll.u32 s5, $0x1;
	s5 =	sadd.s32 s21, s3  }
0x9d: {  	[timem:s7], [sflag:s22] =	dma.local [hbm:s5], s20  }
0x9e: {  	_ =	swait.ge [sflag:s22], s20  }
0x9f: {  	s4 =	ssub.s32 $0x0, s20;
	[sflag:s22] =	ssyncset.done $0x0  }
0xa0: {  	[sflag:s22] =	ssyncadd.s32 s4;
	_ =	sdelay $0x1  }
0xa1: {  	s23 =	simm.s32 $0x1B8B  }
0xa2: {  	_ =	swait.ge [sflag:s23], $0x1  }
0xa3: {  	[sflag:s23] =	ssyncset.done $0x0  }
0xa4: {  	s25 =	simm.s32 $0x1B8E;
	s24 =	sld [smem:$0x3FFE];
	[sflag:s23] =	ssyncadd.s32 $0xFFFFFFFF  }
0xa5: {  	s26 =	simm.s32 $execute0_lowered;
	[smem:$0x3FD2] =	sst s25  }
0xa6: {  	s5 =	sshll.u32 s26, $0x1;
	_ =	strace $0x80000046;
	[dreg:$0x1] =	wrdreg $0xFFFFFFFF  }
0xa7: {  	s28 =	simm.s32 $_size_execute0_lowered;
	s3 =	sadd.s32 s3, s5;
	[dreg:$0x0] =	wrdreg $0x0  }
0xa8: {  	s5 =	sshll.u32 s28, $0x1;
	[dreg:$0x2] =	wrdreg s3  }
0xa9: {  	[dreg:$0x3] =	wrdreg s5  }
0xaa: {  	[dreg:$0x4] =	wrdreg $0xC0  }
0xab: {  	_ =	task [dreg:s7], $0x5FFFF  }
0xac: {  	[dreg:$0x1] =	wrdreg $0xFFFFFFFF  }
0xad: {  	[dreg:$0x0] =	wrdreg $0x60  }
0xae: {  	[dreg:$0x2] =	wrdreg s2  }
0xaf: {  	[dreg:$0x3] =	wrdreg s24  }
0xb0: {  	[dreg:$0x4] =	wrdreg $0x0  }
0xb1: {  	[dreg:$0x5] =	wrdreg $0x9  }
0xb2: {  	_ =	task.clear_ibuf [dreg:s7], $0x6FFFF;
	_ =	strace $0x90000046  }
0xb3: {  	s29 =	simm.s32 $0x9;
	_ =	strace $0x80000048  }
0xb4: {  	_ =	swait.ge [sflag:s29], $0x1  }
0xb5: {  	[sflag:s29] =	ssyncadd.s32 $0xFFFFFFFF  }
0xb6: {  	_ =	strace $0x90000048  }
0xb7: {  	_ =	sfence  }
0xb8: {  	s30 =	sld [smem:$0x0];
	_ =	sdelay $0x2  }
0xb9: {  	s31 =	sshll.u32 s1, $0xD;
	s1 =	sshrl.u32 s1, $0x2  }
0xba: {  	s3 =	sand.u32 $0x4000, s31;
	s1 =	sadd.s32 s1, s30  }
0xbb: {  	s0 =	sor.u32 s3, s0;
	s1 =	sshll.u32 s1, $0x11  }
0xbc: {  	s0 =	sor.u32 s1, s0  }
0xbd: {  	s0 =	sadd.s32 $0x8F2B, s0  }
0xbe: {  	[sflag:s0] =	ssyncadd.remote.s32 $0x1  }
0xbf: {  	_ =	sfence.sel $0xFFFF  }
0xc0: {  	[dreg:$0x0] =	wrdreg $0xFFFFFFFF;
	(pc) =	sbr.abs _section_cstart, $3  }
0xc1: {  	[dreg:$0x1] =	wrdreg $0xFFFFFFFF  }
0xc2: {  	_ =	task.clear_ibuf [dreg:s7], $0x2FFFF;
	_ =	strace $0x9FFFFFFF  }
0xc3: {  	(tm) =	ssettm $0x7FFFFFFF  }
tec
execute0_lowered:
.L_overlay_start_1:
0x0: {  	(tag) =	ssettag $0x1  }
0x1: {  	s0 =	rddreg [dreg:$0x0]  }
0x2: {  	s1 =	rddreg [dreg:$0x1]  }
0x3: {  	s2 =	rddreg [dreg:$0x2];
	s4 =	srdreg.scid;
	s3 =	simm.s32 $0x0  }
0x4: {  	s17 =	stileid.u32;
	s18 =	simm.s32 $0xA800;
	s28 =	simm.s32 $0x3  }
0x5: {  	s29 =	simm.s32 $0x6;
	s30 =	simm.s32 $0x4;
	s5 =	smul.u32 $0x50000, s17  }
0x6: {  	s31 =	simm.s32 $0x7;
	s9 =	sand.u32 $0x1, s4;
	s8 =	smul.u32 $0x14000, s17  }
0x7: {  	[smem:$0x7FF] =	sst s3;
	s1 =	sadd.s32 $0x1200, s1;
	s22 =	smul.u32 $0x2800, s17  }
0x8: {  	s17 =	simm.s32 $0x9;
	s4 =	ssub.s32 $0x2, s9;
	s12 =	smul.u32 $0x140000, s9  }
0x9: {  	_ =	strace $0x80000047;
	s9 =	smul.u32 $0x28000, s9;
	s6 =	sshrl.u32 s4, $0x1  }
0xa: {  	s19 =	sshrl.u32 s5, $0x2;
	s11 =	sadd.s32 $0x4000, s8;
	s13 =	sadd.s32 $0x8000, s8  }
0xb: {  	s14 =	sadd.s32 $0xC000, s8;
	s16 =	sadd.s32 $0x10000, s8;
	s10 =	ssub.s32 s4, s6  }
0xc: {  	s4 =	sadd.s32 s19, s2;
	s5 =	sadd.s32 s11, s2;
	s6 =	sadd.s32 s13, s2  }
0xd: {  	s7 =	sadd.s32 s14, s2;
	s15 =	sadd.s32 s8, s12;
	s11 =	sadd.s32 s12, s11  }
0xe: {  	s8 =	sadd.s32 s16, s2;
	s20 =	sadd.s32 s12, s13;
	s21 =	sadd.s32 s12, s14  }
0xf: {  	s24 =	sadd.s32 s12, s16;
	s9 =	sadd.s32 s22, s9;
	s16 =	simm.s32 $0x2800  }
0x10: {  	s19 =	simm.s32 $0xA880;
	s22 =	simm.s32 $0x1;
	s15 =	sshrl.u32 s15, $0x3  }
0x11: {  	s11 =	sshrl.u32 s11, $0x3;
	s23 =	sshrl.u32 s21, $0x3;
	s25 =	sshrl.u32 s24, $0x3  }
0x12: {  	s14 =	smax.u32 s10, $0x1;
	s26 =	sshrl.u32 s9, $0x3;
	s21 =	simm.s32 $0xA980  }
0x13: {  	s24 =	simm.s32 $0x6800;
	s15 =	sadd.s32 s1, s15;
	s11 =	sadd.s32 s1, s11  }
0x14: {  	s13 =	sadd.s32 s1, s25;
	s25 =	simm.s32 $0x2;
	[dreg:$0x4] =	wrdreg s15  }
0x15: {  	[dreg:$0x5] =	wrdreg s11;
	s11 =	sshrl.u32 s20, $0x3;
	s15 =	sadd.s32 s26, s0  }
0x16: {  	s20 =	simm.s32 $0xA900;
	s26 =	simm.s32 $0x5;
	s11 =	sadd.s32 s1, s11  }
0x17: {  	v0 =	vimm.f32 $0.0e+00;
	vm0 =	vcmask $0x300;
	s0 =	simm.s32 $0x8;
	[dreg:$0x6] =	wrdreg s11;
	s11 =	sadd.s32 s1, s23  }
0x18: {  	v1 =	vsel vm0, $0x3F800000, v0;
	s23 =	simm.s32 $0x80;
	s1 =	simm.s32 $0x0;
	[dreg:$0x7] =	wrdreg s11  }
.LBB2_1:
0x19: {  	s9 =	simm.s32 $0x200;
	s10 =	simm.s32 $0x0  }
.LBB2_2:
0x1a: {  	p0 =	sne.s32 s9, $0xFE00;
	[tilespmem:s10+$0x2800] =	vst v0;
	s11 =	smov.u32 s9;
	s9 =	sadd.s32 $0x200, s9  }
.Ltmp0:
0x1b: {  	[tilespmem:s10+$0x6800] =	vst v1;
	(pc) =	sbr.rel @p0 .LBB2_2-.Ltmp0, $2  }
0x1c: {  	_ =	sdelay $0x2  }
0x1d: {  	s10 =	sshra.s32 s11, $0x2  }
0x1e: {  	[tilespmem:s10+$0x2800] =	vst v0  }
0x1f: {  	[tilespmem:s10+$0x6800] =	vst v1  }
0x20: {  	[spmem:s4] =	stream.linear.scatter [tilespmem:s16], [sflag:$0x9], $0x4000, $0x38;
	[tilespmem:$0xAA00] =	vst v63  }
0x21: {  	_ =	swait.ge [sflag:s17], $0x4000  }
0x22: {  	[sflag:s17] =	ssyncset.done $0x0  }
0x23: {  	[sflag:s17] =	ssyncadd.s32 $0xFFFFC000  }
0x24: {  	[spmem:s5] =	stream.linear.scatter [tilespmem:s16], [sflag:$0x9], $0x4000, $0x38;
	[tilespmem:$0xAA00] =	vst v63  }
0x25: {  	_ =	swait.ge [sflag:s17], $0x4000  }
0x26: {  	[sflag:s17] =	ssyncset.done $0x0  }
0x27: {  	[sflag:s17] =	ssyncadd.s32 $0xFFFFC000  }
0x28: {  	[spmem:s6] =	stream.linear.scatter [tilespmem:s16], [sflag:$0x9], $0x4000, $0x38;
	[tilespmem:$0xAA00] =	vst v63  }
0x29: {  	_ =	swait.ge [sflag:s17], $0x4000  }
0x2a: {  	[sflag:s17] =	ssyncset.done $0x0  }
0x2b: {  	[sflag:s17] =	ssyncadd.s32 $0xFFFFC000  }
0x2c: {  	[spmem:s7] =	stream.linear.scatter [tilespmem:s16], [sflag:$0x9], $0x4000, $0x38;
	[tilespmem:$0xAA00] =	vst v63  }
0x2d: {  	_ =	swait.ge [sflag:s17], $0x4000  }
0x2e: {  	[sflag:s17] =	ssyncset.done $0x0  }
0x2f: {  	[sflag:s17] =	ssyncadd.s32 $0xFFFFC000  }
0x30: {  	[spmem:s8] =	stream.linear.scatter [tilespmem:s16], [sflag:$0x9], $0x4000, $0x38;
	[tilespmem:$0xAA00] =	vst v63  }
0x31: {  	_ =	swait.ge [sflag:s17], $0x4000  }
0x32: {  	[sflag:s17] =	ssyncset.done $0x0  }
0x33: {  	[sflag:s17] =	ssyncadd.s32 $0xFFFFC000  }
0x34: {  	s9 =	sadd.s32 $0x0, s15;
	[bflag:$0x0] =	sbarrier.arrive $0xFFFF  }
0x35: {  	[tilespmem:s18], [sflag:$0x1] =	stream.linear.gather [hbm4b:s9+s3], $0x80, $0x38;
	[tilespmem:$0xAA00] =	vst v63  }
0x36: {  	s11 =	sadd.s32 $0x10, s9  }
0x37: {  	[tilespmem:s19], [sflag:$0x2] =	stream.linear.gather [hbm4b:s11+s3], $0x80, $0x38;
	[tilespmem:$0xAA00] =	vst v63  }
0x38: {  	s12 =	sadd.s32 $0x20, s9  }
0x39: {  	[tilespmem:s20], [sflag:$0x3] =	stream.linear.gather [hbm4b:s12+s3], $0x80, $0x38;
	[tilespmem:$0xAA00] =	vst v63  }
0x3a: {  	s9 =	sadd.s32 $0x30, s9  }
0x3b: {  	[tilespmem:s21], [sflag:$0x4] =	stream.linear.gather [hbm4b:s9+s3], $0x80, $0x38;
	[tilespmem:$0xAA00] =	vst v63  }
0x3c: {  	_ =	swait.ge [sflag:s22], $0x80  }
0x3d: {  	[sflag:s22] =	ssyncset.done $0x0  }
0x3e: {  	[sflag:s22] =	ssyncadd.s32 $0xFFFFFF80  }
0x3f: {  	[spmem:s2] =	stream.indirect.scatter.add.f32 [tilespmem:s24], [sflag:$0x5], $0x10, s18, s23, $0xb8;
	[tilespmem:$0xAA00] =	vst v63  }
0x40: {  	_ =	swait.ge [sflag:s25], $0x80  }
0x41: {  	[sflag:s25] =	ssyncset.done $0x0  }
0x42: {  	[sflag:s25] =	ssyncadd.s32 $0xFFFFFF80  }
0x43: {  	_ =	swait.ge [sflag:s26], $0x800  }
0x44: {  	[sflag:s26] =	ssyncset.done $0x0  }
0x45: {  	[sflag:s26] =	ssyncadd.s32 $0xFFFFF800  }
0x46: {  	[spmem:s2] =	stream.indirect.scatter.add.f32 [tilespmem:s24], [sflag:$0x6], $0x10, s19, s23, $0xb8;
	[tilespmem:$0xAA00] =	vst v63  }
0x47: {  	_ =	swait.ge [sflag:s28], $0x80  }
0x48: {  	[sflag:s28] =	ssyncset.done $0x0  }
0x49: {  	[sflag:s28] =	ssyncadd.s32 $0xFFFFFF80  }
0x4a: {  	_ =	swait.ge [sflag:s29], $0x800  }
0x4b: {  	[sflag:s29] =	ssyncset.done $0x0  }
0x4c: {  	[sflag:s29] =	ssyncadd.s32 $0xFFFFF800  }
0x4d: {  	[spmem:s2] =	stream.indirect.scatter.add.f32 [tilespmem:s24], [sflag:$0x7], $0x10, s20, s23, $0xb8;
	[tilespmem:$0xAA00] =	vst v63  }
0x4e: {  	_ =	swait.ge [sflag:s30], $0x80  }
0x4f: {  	[sflag:s30] =	ssyncset.done $0x0  }
0x50: {  	[sflag:s30] =	ssyncadd.s32 $0xFFFFFF80  }
0x51: {  	_ =	swait.ge [sflag:s31], $0x800  }
0x52: {  	[sflag:s31] =	ssyncset.done $0x0  }
0x53: {  	[sflag:s31] =	ssyncadd.s32 $0xFFFFF800  }
0x54: {  	[spmem:s2] =	stream.indirect.scatter.add.f32 [tilespmem:s24], [sflag:$0x8], $0x10, s21, s23, $0xb8;
	[tilespmem:$0xAA00] =	vst v63  }
0x55: {  	_ =	swait.ge [sflag:s0], $0x800  }
0x56: {  	s10 =	simm.s32 $0x80;
	s9 =	simm.s32 $0x40;
	[sflag:s0] =	ssyncset.done $0x0  }
.LBB2_4:
0x57: {  	s12 =	sadd.s32 s9, s15  }
0x58: {  	[sflag:s0] =	ssyncadd.s32 $0xFFFFF800;
	s9 =	smov.u32 s10;
	s11 =	sadd.s32 $0x40, s10  }
0x59: {  	[tilespmem:s18], [sflag:$0x1] =	stream.linear.gather [hbm4b:s12+s3], $0x80, $0x38;
	[tilespmem:$0xAA00] =	vst v63  }
0x5a: {  	p0 =	sne.s32 s10, $0x4C0;
	s10 =	sadd.s32 $0x10, s12  }
0x5b: {  	[tilespmem:s19], [sflag:$0x2] =	stream.linear.gather [hbm4b:s10+s3], $0x80, $0x38;
	[tilespmem:$0xAA00] =	vst v63  }
0x5c: {  	s10 =	sadd.s32 $0x20, s12  }
0x5d: {  	[tilespmem:s20], [sflag:$0x3] =	stream.linear.gather [hbm4b:s10+s3], $0x80, $0x38;
	[tilespmem:$0xAA00] =	vst v63  }
0x5e: {  	s10 =	sadd.s32 $0x30, s12  }
0x5f: {  	[tilespmem:s21], [sflag:$0x4] =	stream.linear.gather [hbm4b:s10+s3], $0x80, $0x38;
	[tilespmem:$0xAA00] =	vst v63  }
0x60: {  	_ =	swait.ge [sflag:s22], $0x80  }
0x61: {  	[sflag:s22] =	ssyncset.done $0x0  }
0x62: {  	[sflag:s22] =	ssyncadd.s32 $0xFFFFFF80  }
0x63: {  	[spmem:s2] =	stream.indirect.scatter.add.f32 [tilespmem:s24], [sflag:$0x5], $0x10, s18, s23, $0xb8;
	[tilespmem:$0xAA00] =	vst v63  }
0x64: {  	_ =	swait.ge [sflag:s25], $0x80  }
0x65: {  	[sflag:s25] =	ssyncset.done $0x0  }
0x66: {  	[sflag:s25] =	ssyncadd.s32 $0xFFFFFF80  }
0x67: {  	_ =	swait.ge [sflag:s26], $0x800  }
0x68: {  	[sflag:s26] =	ssyncset.done $0x0  }
0x69: {  	[sflag:s26] =	ssyncadd.s32 $0xFFFFF800  }
0x6a: {  	[spmem:s2] =	stream.indirect.scatter.add.f32 [tilespmem:s24], [sflag:$0x6], $0x10, s19, s23, $0xb8;
	[tilespmem:$0xAA00] =	vst v63  }
0x6b: {  	_ =	swait.ge [sflag:s28], $0x80  }
0x6c: {  	[sflag:s28] =	ssyncset.done $0x0  }
0x6d: {  	[sflag:s28] =	ssyncadd.s32 $0xFFFFFF80  }
0x6e: {  	_ =	swait.ge [sflag:s29], $0x800  }
0x6f: {  	[sflag:s29] =	ssyncset.done $0x0  }
0x70: {  	[sflag:s29] =	ssyncadd.s32 $0xFFFFF800  }
0x71: {  	[spmem:s2] =	stream.indirect.scatter.add.f32 [tilespmem:s24], [sflag:$0x7], $0x10, s20, s23, $0xb8;
	[tilespmem:$0xAA00] =	vst v63  }
0x72: {  	_ =	swait.ge [sflag:s30], $0x80  }
0x73: {  	[sflag:s30] =	ssyncset.done $0x0  }
0x74: {  	[sflag:s30] =	ssyncadd.s32 $0xFFFFFF80  }
0x75: {  	_ =	swait.ge [sflag:s31], $0x800  }
.Ltmp1:
0x76: {  	[sflag:s31] =	ssyncset.done $0x0;
	(pc) =	sbr.rel @p0 .LBB2_4-.Ltmp1, $4  }
0x77: {  	[sflag:s31] =	ssyncadd.s32 $0xFFFFF800  }
0x78: {  	[spmem:s2] =	stream.indirect.scatter.add.f32 [tilespmem:s24], [sflag:$0x8], $0x10, s21, s23, $0xb8;
	[tilespmem:$0xAA00] =	vst v63  }
0x79: {  	_ =	swait.ge [sflag:s0], $0x800  }
0x7a: {  	s10 =	smov.u32 s11;
	[sflag:s0] =	ssyncset.done $0x0  }
0x7b: {  	s9 =	sadd.s32 s9, s15;
	[sflag:s0] =	ssyncadd.s32 $0xFFFFF800  }
0x7c: {  	[tilespmem:s18], [sflag:$0x1] =	stream.linear.gather [hbm4b:s9+s3], $0x80, $0x38;
	[tilespmem:$0xAA00] =	vst v63  }
0x7d: {  	s10 =	sadd.s32 $0x10, s9  }
0x7e: {  	[tilespmem:s19], [sflag:$0x2] =	stream.linear.gather [hbm4b:s10+s3], $0x80, $0x38;
	[tilespmem:$0xAA00] =	vst v63  }
0x7f: {  	s12 =	sadd.s32 $0x20, s9  }
0x80: {  	[tilespmem:s20], [sflag:$0x3] =	stream.linear.gather [hbm4b:s12+s3], $0x80, $0x38;
	[tilespmem:$0xAA00] =	vst v63  }
0x81: {  	s9 =	sadd.s32 $0x30, s9  }
0x82: {  	[tilespmem:s21], [sflag:$0x4] =	stream.linear.gather [hbm4b:s9+s3], $0x80, $0x38;
	[tilespmem:$0xAA00] =	vst v63  }
0x83: {  	_ =	swait.ge [sflag:s22], $0x80  }
0x84: {  	[sflag:s22] =	ssyncset.done $0x0  }
0x85: {  	[sflag:s22] =	ssyncadd.s32 $0xFFFFFF80  }
0x86: {  	[spmem:s2] =	stream.indirect.scatter.add.f32 [tilespmem:s24], [sflag:$0x5], $0x10, s18, s23, $0xb8;
	[tilespmem:$0xAA00] =	vst v63  }
0x87: {  	_ =	swait.ge [sflag:s25], $0x80  }
0x88: {  	[sflag:s25] =	ssyncset.done $0x0  }
0x89: {  	[sflag:s25] =	ssyncadd.s32 $0xFFFFFF80  }
0x8a: {  	_ =	swait.ge [sflag:s26], $0x800  }
0x8b: {  	[sflag:s26] =	ssyncset.done $0x0  }
0x8c: {  	[sflag:s26] =	ssyncadd.s32 $0xFFFFF800  }
0x8d: {  	[spmem:s2] =	stream.indirect.scatter.add.f32 [tilespmem:s24], [sflag:$0x6], $0x10, s19, s23, $0xb8;
	[tilespmem:$0xAA00] =	vst v63  }
0x8e: {  	_ =	swait.ge [sflag:s28], $0x80  }
0x8f: {  	[sflag:s28] =	ssyncset.done $0x0  }
0x90: {  	[sflag:s28] =	ssyncadd.s32 $0xFFFFFF80  }
0x91: {  	_ =	swait.ge [sflag:s29], $0x800  }
0x92: {  	[sflag:s29] =	ssyncset.done $0x0  }
0x93: {  	[sflag:s29] =	ssyncadd.s32 $0xFFFFF800  }
0x94: {  	[spmem:s2] =	stream.indirect.scatter.add.f32 [tilespmem:s24], [sflag:$0x7], $0x10, s20, s23, $0xb8;
	[tilespmem:$0xAA00] =	vst v63  }
0x95: {  	_ =	swait.ge [sflag:s30], $0x80  }
0x96: {  	[sflag:s30] =	ssyncset.done $0x0  }
0x97: {  	[sflag:s30] =	ssyncadd.s32 $0xFFFFFF80  }
0x98: {  	_ =	swait.ge [sflag:s31], $0x800  }
0x99: {  	[sflag:s31] =	ssyncset.done $0x0  }
0x9a: {  	[sflag:s31] =	ssyncadd.s32 $0xFFFFF800  }
0x9b: {  	[spmem:s2] =	stream.indirect.scatter.add.f32 [tilespmem:s24], [sflag:$0x8], $0x10, s21, s23, $0xb8;
	[tilespmem:$0xAA00] =	vst v63  }
0x9c: {  	_ =	swait.ge [sflag:s0], $0x800  }
0x9d: {  	[sflag:s0] =	ssyncset.done $0x0  }
0x9e: {  	s11 =	stileid.u32;
	[sflag:s0] =	ssyncadd.s32 $0xFFFFF800  }
0x9f: {  	s9 =	sshll.u32 s11, $0x6;
	[bflag:$0x0] =	sbarrier.arrive $0xFFFF  }
0xa0: {  	s12 =	sshrl.u32 s4, $0x3;
	s9 =	sor.u32 $0x1C09, s9;
	s11 =	rddreg [dreg:$0x4]  }
0xa1: {  	[hbm:s11], [sflag:s9] =	dma.local [spmem:s12], $0x800  }
0xa2: {  	_ =	swait.ge [sflag:s17], $0x800  }
0xa3: {  	[sflag:s17] =	ssyncset.done $0x0  }
0xa4: {  	s11 =	sshrl.u32 s5, $0x3;
	s12 =	rddreg [dreg:$0x5];
	[sflag:s17] =	ssyncadd.s32 $0xFFFFF800  }
0xa5: {  	[hbm:s12], [sflag:s9] =	dma.local [spmem:s11], $0x800  }
0xa6: {  	_ =	swait.ge [sflag:s17], $0x800  }
0xa7: {  	[sflag:s17] =	ssyncset.done $0x0  }
0xa8: {  	s11 =	sshrl.u32 s6, $0x3;
	s12 =	rddreg [dreg:$0x6];
	[sflag:s17] =	ssyncadd.s32 $0xFFFFF800  }
0xa9: {  	[hbm:s12], [sflag:s9] =	dma.local [spmem:s11], $0x800  }
0xaa: {  	_ =	swait.ge [sflag:s17], $0x800  }
0xab: {  	[sflag:s17] =	ssyncset.done $0x0  }
0xac: {  	s11 =	sshrl.u32 s7, $0x3;
	s12 =	rddreg [dreg:$0x7];
	[sflag:s17] =	ssyncadd.s32 $0xFFFFF800  }
0xad: {  	[hbm:s12], [sflag:s9] =	dma.local [spmem:s11], $0x800  }
0xae: {  	s1 =	sadd.s32 $0x1, s1;
	_ =	swait.ge [sflag:s17], $0x800  }
0xaf: {  	p0 =	sne.s32 s1, s14;
	[sflag:s17] =	ssyncset.done $0x0  }
.Ltmp2:
0xb0: {  	s12 =	sshrl.u32 s8, $0x3;
	[sflag:s17] =	ssyncadd.s32 $0xFFFFF800;
	(pc) =	sbr.rel @p0 .LBB2_1-.Ltmp2, $4  }
0xb1: {  	[hbm:s13], [sflag:s9] =	dma.local [spmem:s12], $0x800  }
0xb2: {  	_ =	swait.ge [sflag:s17], $0x800  }
0xb3: {  	[sflag:s17] =	ssyncset.done $0x0  }
0xb4: {  	[sflag:s17] =	ssyncadd.s32 $0xFFFFF800  }
0xb5: {  	_ =	sfence.sel $0x180000  }
0xb6: {  	[bflag:$0x0] =	sbarrier.arrive $0xFFFF  }
0xb7: {  	_ =	strace $0x90000047  }
0xb8: {  	s0 =	stileid.u32;
	[bflag:$0x2] =	sbarrier.arrive $0xFFFF  }
0xb9: {  	p0 =	sne.s32 s0, $0x0;
	s0 =	rddreg [dreg:$0x3]  }
0xba: {  	s0 =	sadd.s32 @!p0 $0x100000, s0  }
0xbb: {  	[sflag:s0] =	ssyncadd.tile.s32 @!p0 $0x1;
	_ =	shalt  }
.Lfunc_end2:
_tile_overlayer_lowered:
.L_overlay_start_2:
0xbc: {  	(tag) =	ssettag $0x2  }
0xbd: {  	s0 =	rddreg [dreg:$0x0];
	s2 =	stileid.u32  }
0xbe: {  	s1 =	rddreg [dreg:$0x1];
	p0 =	sne.s32 s2, $0x0  }
0xbf: {  	s3 =	rddreg [dreg:$0x2];
	[bflag:$0x3] =	sbarrier.arrive $0xFFFF;
	s2 =	simm.s32 @!p0 $0x1C09  }
0xc0: {  	[timem:s3], [sflag:s2] =	dma.local @!p0 [hbm:s0], s1  }
0xc1: {  	s0 =	simm.s32 @!p0 $0x9  }
0xc2: {  	_ =	swait.ge @!p0 [sflag:s0], s1  }
0xc3: {  	s1 =	ssub.s32 @!p0 $0x0, s1;
	[sflag:s0] =	ssyncset.done @!p0 $0x0  }
0xc4: {  	[sflag:s0] =	ssyncadd.s32 @!p0 s1  }
0xc5: {  	[bflag:$0x3] =	sbarrier.arrive $0xFFFF  }
0xc6: {  	_ =	shalt  }

// kernel: kernel.9.cloned.1.call-start
scs
__scs_entry_jumppad:
0x0: {  	(pc) =	sbr.rel $0x88, $3  }
0x1: {  	(tag) =	ssettag $0x0;
	lr =	simm.s32 $0x1  }
0x2: {  	[smem:$0x3F9C] =	sst lr;
	_ =	strace $0xD0000000  }
0x3: {  	_ = 	snop  }
0x4: {  	_ = 	snop  }
0x5: {  	_ = 	snop  }
0x6: {  	_ = 	snop  }
0x7: {  	_ = 	snop  }
__scs_overlays_trampoline_lowered:
0x8: {  	[smem:$0x3FAB] =	sst s0  }
0x9: {  	[smem:$0x3FAC] =	sst s1  }
0xa: {  	[smem:$0x3FAD] =	sst s2  }
0xb: {  	[smem:$0x3FAE] =	sst s3  }
0xc: {  	[smem:$0x3FAF] =	sst s4  }
0xd: {  	[smem:$0x3FB0] =	sst s5  }
0xe: {  	[smem:$0x3FB1] =	sst s6  }
0xf: {  	[smem:$0x3FB2] =	sst s7  }
0x10: {  	[smem:$0x3FB3] =	sst s8  }
0x11: {  	[smem:$0x3FB4] =	sst s9;
	s0 =	simm.s32 @!p0 $0x0  }
0x12: {  	s1 =	sld [smem:$0x3F9A];
	s0 =	simm.s32 @p0 $0x1  }
0x13: {  	[smem:$0x3FB5] =	sst s0;
	s0 =	simm.s32 @!p1 $0x0  }
0x14: {  	s2 =	sld [smem:$0x3F99];
	s0 =	simm.s32 @p1 $0x1  }
0x15: {  	[smem:$0x3FB6] =	sst s0;
	s0 =	simm.s32 @!p2 $0x0  }
0x16: {  	s3 =	sld [smem:$0x3FDB];
	s0 =	simm.s32 @p2 $0x1  }
0x17: {  	s4 =	simm.s32 $0x1BF5;
	[smem:$0x3FB8] =	sst s0  }
0x18: {  	s0 =	sld [smem:$0x3F9B];
	_ =	swait.ge [sflag:s4], $0x0  }
0x19: {  	s7 =	sld [smem:$0x3F9C]  }
0x1a: {  	s8 =	sadd.s32 $0xFFFFE003, lr  }
0x1b: {  	s9 =	sadd.s32 $0xFFFFFEF7, lr;
	s5 =	simm.s32 $0xFFFFFFFF;
	p2 =	slt.u32 s8, $0xFFFFF086  }
0x1c: {  	p1 =	slt.u32 s9, $0xF7A;
	s5 =	simm.s32 @!p2 $0x0  }
0x1d: {  	s5 =	simm.s32 @p1 $0x1;
	p0 =	seq.s32 s7, s2  }
0x1e: {  	s7 =	smul.u32 @!p0 $0xF7A, s2;
	p2 =	seq.s32 @!p0 s5, $0x0  }
0x1f: {  	s9 =	smul.u32 $0xF7A, s1;
	s8 =	simm.s32 @!p0 $0x1BF5;
	p2 =	por !p2, p0  }
0x20: {  	[sflag:s8] =	ssyncset.s32 @!p0 $0xFFFFF086;
	s6 =	sadd.s32 @!p0 s3, s7;
	s7 =	simm.s32 @!p0 $0x108  }
0x21: {  	s3 =	sadd.s32 s3, s9;
	s6 =	sadd.s32 @!p0 $0x88, s6;
	s7 =	simm.s32 @p2 $0x1082  }
0x22: {  	[simem:s7], [sflag:s8] =	dma.local @!p0 [hbm:s6], $0xF7A  }
0x23: {  	s9 =	sor.u32 $0xD0000000, s2;
	s6 =	simm.s32 $0x108;
	_ =	swait.ge @!p0 [sflag:s8], $0x0  }
0x24: {  	s3 =	sadd.s32 $0x88, s3;
	s6 =	simm.s32 @!p1 $0x1082;
	[sflag:s4] =	ssyncset.s32 $0xFFFFF086  }
0x25: {  	[simem:s6], [sflag:s4] =	dma.local [hbm:s3], $0xF7A  }
0x26: {  	[smem:$0x3F9C] =	sst s1;
	(tag) =	ssettag s2;
	_ =	strace s9  }
0x27: {  	s1 =	sld [smem:$0x3FAC]  }
0x28: {  	s2 =	sld [smem:$0x3FAD]  }
0x29: {  	s4 =	sld [smem:$0x3FAF]  }
0x2a: {  	p0 =	seq.s32 s5, $0x0;
	s5 =	sld [smem:$0x3FB0]  }
0x2b: {  	s6 =	sld [smem:$0x3FB1]  }
0x2c: {  	s7 =	sld [smem:$0x3FB2]  }
0x2d: {  	s3 =	simm.s32 $0x108;
	s8 =	sld [smem:$0x3FB3]  }
0x2e: {  	s3 =	simm.s32 @!p0 $0x1082;
	s9 =	sld [smem:$0x3FB4]  }
0x2f: {  	lr =	sadd.s32 s0, s3;
	s0 =	sld [smem:$0x3FAB]  }
0x30: {  	s3 =	sld [smem:$0x3FAE]  }
0x31: {  	[smem:$0x3FB7] =	sst s10  }
0x32: {  	s10 =	sld [smem:$0x3FB5];
	_ =	sdelay $0x3  }
0x33: {  	p0 =	seq.s32 s10, $0x1;
	s10 =	sld [smem:$0x3FB7];
	_ =	sdelay $0x3  }
0x34: {  	[smem:$0x3FB7] =	sst s10  }
0x35: {  	s10 =	sld [smem:$0x3FB6];
	_ =	sdelay $0x3  }
0x36: {  	p1 =	seq.s32 s10, $0x1;
	s10 =	sld [smem:$0x3FB7];
	_ =	sdelay $0x3  }
0x37: {  	[smem:$0x3FB7] =	sst s10  }
0x38: {  	s10 =	sld [smem:$0x3FB8]  }
0x39: {  	_ = 	snop;
	(pc) =	sbr.ind lr, $3  }
0x3a: {  	_ = 	snop  }
0x3b: {  	_ = 	snop  }
0x3c: {  	p2 =	seq.s32 s10, $0x1;
	s10 =	sld [smem:$0x3FB7]  }
0x3d: {  	_ =	shalt  }
0x3e: {  	_ =	shalt  }
0x3f: {  	_ =	shalt  }
0x40: {  	_ =	shalt  }
0x41: {  	_ =	shalt  }
0x42: {  	_ =	shalt  }
0x43: {  	_ =	shalt  }
0x44: {  	_ =	shalt  }
0x45: {  	_ =	shalt  }
0x46: {  	_ =	shalt  }
0x47: {  	_ =	shalt  }
0x48: {  	_ =	shalt  }
0x49: {  	_ =	shalt  }
0x4a: {  	_ =	shalt  }
0x4b: {  	_ =	shalt  }
0x4c: {  	_ =	shalt  }
0x4d: {  	_ =	shalt  }
0x4e: {  	_ =	shalt  }
0x4f: {  	_ =	shalt  }
0x50: {  	_ =	shalt  }
0x51: {  	_ =	shalt  }
0x52: {  	_ =	shalt  }
0x53: {  	_ =	shalt  }
0x54: {  	_ =	shalt  }
0x55: {  	_ =	shalt  }
0x56: {  	_ =	shalt  }
0x57: {  	_ =	shalt  }
0x58: {  	_ =	shalt  }
0x59: {  	_ =	shalt  }
0x5a: {  	_ =	shalt  }
0x5b: {  	_ =	shalt  }
0x5c: {  	_ =	shalt  }
0x5d: {  	_ =	shalt  }
0x5e: {  	_ =	shalt  }
0x5f: {  	_ =	shalt  }
0x60: {  	_ =	shalt  }
0x61: {  	_ =	shalt  }
0x62: {  	_ =	shalt  }
0x63: {  	_ =	shalt  }
0x64: {  	_ =	shalt  }
0x65: {  	_ =	shalt  }
0x66: {  	_ =	shalt  }
0x67: {  	_ =	shalt  }
0x68: {  	_ =	shalt  }
0x69: {  	_ =	shalt  }
0x6a: {  	_ =	shalt  }
0x6b: {  	_ =	shalt  }
0x6c: {  	_ =	shalt  }
0x6d: {  	_ =	shalt  }
0x6e: {  	_ =	shalt  }
0x6f: {  	_ =	shalt  }
0x70: {  	_ =	shalt  }
0x71: {  	_ =	shalt  }
0x72: {  	_ =	shalt  }
0x73: {  	_ =	shalt  }
0x74: {  	_ =	shalt  }
0x75: {  	_ =	shalt  }
0x76: {  	_ =	shalt  }
0x77: {  	_ =	shalt  }
0x78: {  	_ =	shalt  }
0x79: {  	_ =	shalt  }
0x7a: {  	_ =	shalt  }
0x7b: {  	_ =	shalt  }
0x7c: {  	_ =	shalt  }
0x7d: {  	_ =	shalt  }
0x7e: {  	_ =	shalt  }
0x7f: {  	_ =	shalt  }
0x80: {  	_ =	shalt  }
0x81: {  	_ =	shalt  }
0x82: {  	_ =	shalt  }
0x83: {  	_ =	shalt  }
0x84: {  	_ =	shalt  }
0x85: {  	_ =	shalt  }
0x86: {  	_ =	shalt  }
0x87: {  	_ =	shalt  }
.Lfunc_end0:
.L_simem_size_0:
called_computation.1_lowered:
.L_overlay_start_0:
0x88: {  	s2 =	sld [smem:$0x3FD9]  }
0x89: {  	s3 =	sld [smem:$0x3FFE];
	_ =	sdelay $0x1  }
0x8a: {  	s1 =	srdreg.scid  }
0x8b: {  	s0 =	sand.u32 $0x1, s1  }
0x8c: {  	s17 =	sshll.u32 s0, $0xA;
	s2 =	sadd.s32 s3, s2  }
0x8d: {  	s2 =	sadd.s32 s2, s17  }
0x8e: {  	[smem:$0x3FC3] =	sst s2  }
0x8f: {  	_ = 	snop  }
0x90: {  	s2 =	sld [smem:$0x3FD0];
	(tm) =	ssettm $0x1  }
0x91: {  	s18 =	sld [smem:$0x3FFB];
	_ =	sdelay $0x3  }
0x92: {  	_ =	strace s18  }
0x93: {  	s3 =	sld [smem:$0x3FFC];
	_ =	sdelay $0x3  }
0x94: {  	_ =	strace s3  }
0x95: {  	s3 =	sld [smem:$0x3FFD];
	_ =	sdelay $0x3  }
0x96: {  	_ =	strace s3  }
0x97: {  	_ =	strace $0x8FFFFFFF  }
0x98: {  	s19 =	sld [smem:$0x3FDB];
	_ =	sdelay $0x1  }
0x99: {  	s4 =	simm.s32 $_scs_section_size  }
0x9a: {  	s5 =	simm.s32 $_size__tile_overlayer_lowered;
	s6 =	simm.s32 $_tile_overlayer_lowered  }
0x9b: {  	s22 =	simm.s32 $0x1BFF;
	s21 =	sshll.u32 s6, $0x1;
	s3 =	sadd.s32 s4, s19  }
0x9c: {  	s7 =	simm.s32 $0x0;
	s20 =	sshll.u32 s5, $0x1;
	s5 =	sadd.s32 s21, s3  }
0x9d: {  	[timem:s7], [sflag:s22] =	dma.local [hbm:s5], s20  }
0x9e: {  	_ =	swait.ge [sflag:s22], s20  }
0x9f: {  	s4 =	ssub.s32 $0x0, s20;
	[sflag:s22] =	ssyncset.done $0x0  }
0xa0: {  	[sflag:s22] =	ssyncadd.s32 s4;
	_ =	sdelay $0x1  }
0xa1: {  	s23 =	simm.s32 $0x1B8B  }
0xa2: {  	_ =	swait.ge [sflag:s23], $0x1  }
0xa3: {  	[sflag:s23] =	ssyncset.done $0x0  }
0xa4: {  	s25 =	simm.s32 $0x1B8E;
	s24 =	sld [smem:$0x3FFE];
	[sflag:s23] =	ssyncadd.s32 $0xFFFFFFFF  }
0xa5: {  	s26 =	simm.s32 $execute0_lowered;
	[smem:$0x3FD2] =	sst s25  }
0xa6: {  	s5 =	sshll.u32 s26, $0x1;
	_ =	strace $0x80000049;
	[dreg:$0x1] =	wrdreg $0xFFFFFFFF  }
0xa7: {  	s28 =	simm.s32 $_size_execute0_lowered;
	s3 =	sadd.s32 s3, s5;
	[dreg:$0x0] =	wrdreg $0x0  }
0xa8: {  	s5 =	sshll.u32 s28, $0x1;
	[dreg:$0x2] =	wrdreg s3  }
0xa9: {  	[dreg:$0x3] =	wrdreg s5  }
0xaa: {  	[dreg:$0x4] =	wrdreg $0xC0  }
0xab: {  	_ =	task [dreg:s7], $0x5FFFF  }
0xac: {  	[dreg:$0x1] =	wrdreg $0xFFFFFFFF  }
0xad: {  	[dreg:$0x0] =	wrdreg $0x60  }
0xae: {  	[dreg:$0x2] =	wrdreg s24  }
0xaf: {  	[dreg:$0x3] =	wrdreg s2  }
0xb0: {  	[dreg:$0x4] =	wrdreg $0x0  }
0xb1: {  	[dreg:$0x5] =	wrdreg $0xA0000  }
0xb2: {  	[dreg:$0x6] =	wrdreg $0x9  }
0xb3: {  	_ =	task.clear_ibuf [dreg:s7], $0x7FFFF;
	_ =	strace $0x90000049  }
0xb4: {  	s29 =	simm.s32 $0x9;
	_ =	strace $0x8000004B  }
0xb5: {  	_ =	swait.ge [sflag:s29], $0x1  }
0xb6: {  	[sflag:s29] =	ssyncadd.s32 $0xFFFFFFFF  }
0xb7: {  	_ =	strace $0x9000004B  }
0xb8: {  	_ =	sfence  }
0xb9: {  	s30 =	sld [smem:$0x0];
	_ =	sdelay $0x2  }
0xba: {  	s31 =	sshll.u32 s1, $0xD;
	s1 =	sshrl.u32 s1, $0x2  }
0xbb: {  	s3 =	sand.u32 $0x4000, s31;
	s1 =	sadd.s32 s1, s30  }
0xbc: {  	s0 =	sor.u32 s3, s0;
	s1 =	sshll.u32 s1, $0x11  }
0xbd: {  	s0 =	sor.u32 s1, s0  }
0xbe: {  	s0 =	sadd.s32 $0x8F2B, s0  }
0xbf: {  	[sflag:s0] =	ssyncadd.remote.s32 $0x1  }
0xc0: {  	_ =	sfence.sel $0xFFFF  }
0xc1: {  	[dreg:$0x0] =	wrdreg $0xFFFFFFFF;
	(pc) =	sbr.abs _section_cstart, $3  }
0xc2: {  	[dreg:$0x1] =	wrdreg $0xFFFFFFFF  }
0xc3: {  	_ =	task.clear_ibuf [dreg:s7], $0x2FFFF;
	_ =	strace $0x9FFFFFFF  }
0xc4: {  	(tm) =	ssettm $0x7FFFFFFF  }
0xc5: {  	_ =	shalt  }
tec
execute0_lowered:
.L_overlay_start_1:
0x0: {  	(tag) =	ssettag $0x1  }
0x1: {  	s0 =	srdreg.scid  }
0x2: {  	s19 =	stileid.u32;
	s3 =	rddreg [dreg:$0x0]  }
0x3: {  	s5 =	rddreg [dreg:$0x1];
	s2 =	sand.u32 $0x1, s0;
	s0 =	smul.u32 $0x14000, s19  }
0x4: {  	s1 =	simm.s32 $0x0;
	s4 =	smul.u32 $0x140000, s2;
	s2 =	ssub.s32 $0x2, s2  }
0x5: {  	[smem:$0x7FF] =	sst s1;
	s8 =	sadd.s32 $0xAB200, s3;
	s7 =	sshrl.u32 s2, $0x1  }
0x6: {  	s9 =	sadd.s32 $0x4000, s0;
	s10 =	sadd.s32 $0x6000, s0;
	s12 =	sadd.s32 $0x8000, s0  }
0x7: {  	s14 =	sadd.s32 $0xA000, s0;
	s15 =	sadd.s32 $0xC000, s0;
	s16 =	sadd.s32 $0xE000, s0  }
0x8: {  	s17 =	sadd.s32 $0x10000, s0;
	s18 =	sadd.s32 $0x12000, s0;
	s6 =	sadd.s32 s0, s4  }
0x9: {  	s2 =	ssub.s32 s2, s7;
	s7 =	sor.u32 $0x2000, s0;
	s13 =	sadd.s32 s4, s9  }
0xa: {  	s20 =	sadd.s32 s4, s10;
	s22 =	sadd.s32 s4, s12;
	s11 =	sadd.s32 s4, s7  }
0xb: {  	s24 =	sadd.s32 s4, s14;
	s26 =	sadd.s32 s4, s15;
	s11 =	sshrl.u32 s11, $0x3  }
0xc: {  	s13 =	sshrl.u32 s13, $0x3;
	s21 =	sshrl.u32 s20, $0x3;
	s11 =	sadd.s32 s8, s11  }
0xd: {  	s23 =	sshrl.u32 s22, $0x3;
	s25 =	sshrl.u32 s24, $0x3;
	[dreg:$0x7] =	wrdreg s11  }
0xe: {  	s20 =	sshrl.u32 s26, $0x3;
	s11 =	sadd.s32 s8, s13;
	s13 =	rddreg [dreg:$0x2]  }
0xf: {  	[dreg:$0x8] =	wrdreg s11;
	s11 =	sadd.s32 s8, s21;
	s21 =	sadd.s32 s4, s16  }
0x10: {  	[dreg:$0x9] =	wrdreg s11;
	s11 =	sadd.s32 s8, s23;
	s23 =	sadd.s32 s4, s17  }
0x11: {  	s4 =	sadd.s32 s4, s18;
	[dreg:$0xa] =	wrdreg s11;
	s11 =	sadd.s32 s8, s25  }
0x12: {  	s4 =	sshrl.u32 s4, $0x3;
	[dreg:$0xb] =	wrdreg s11;
	s11 =	sadd.s32 s8, s20  }
0x13: {  	s22 =	sshrl.u32 s21, $0x3;
	s4 =	sadd.s32 s8, s4;
	[dreg:$0xc] =	wrdreg s11  }
0x14: {  	s24 =	sshrl.u32 s23, $0x3;
	s11 =	sadd.s32 s8, s22;
	[dreg:$0xf] =	wrdreg s4  }
0x15: {  	s25 =	smul.u32 $0xA00, s19;
	[dreg:$0xd] =	wrdreg s11;
	s11 =	sadd.s32 s8, s24  }
0x16: {  	s6 =	sshrl.u32 s6, $0x3;
	[dreg:$0xe] =	wrdreg s11  }
0x17: {  	s4 =	sadd.s32 s25, s5;
	s8 =	sadd.s32 s8, s6;
	s11 =	rddreg [dreg:$0x3]  }
0x18: {  	s6 =	sadd.s32 s6, s3;
	s3 =	sadd.s32 s25, s3;
	[dreg:$0x10] =	wrdreg s8  }
0x19: {  	s3 =	sadd.s32 $0x51200, s3;
	_ =	strace $0x8000004A;
	[dreg:$0x5] =	wrdreg s4  }
0x1a: {  	s5 =	sadd.s32 $0x5B200, s6;
	[dreg:$0x6] =	wrdreg s3  }
0x1b: {  	s26 =	sshll.u32 s19, $0x6;
	s25 =	smax.u32 s2, $0x1;
	[dreg:$0x11] =	wrdreg s5  }
0x1c: {  	s28 =	sor.u32 $0x1C15, s26;
	[dreg:$0x1d] =	wrdreg s25  }
0x1d: {  	s6 =	sadd.s32 s0, s13;
	s0 =	sadd.s32 s0, s11;
	[dreg:$0x12] =	wrdreg s28  }
0x1e: {  	s8 =	sadd.s32 s7, s11;
	[dreg:$0x13] =	wrdreg s0  }
0x1f: {  	s30 =	simm.s32 $0xB;
	s9 =	sadd.s32 s9, s11;
	[dreg:$0x14] =	wrdreg s8  }
0x20: {  	s31 =	simm.s32 $0x7;
	s19 =	sadd.s32 s10, s11;
	[dreg:$0x15] =	wrdreg s9  }
0x21: {  	s29 =	simm.s32 $0x1E480;
	s20 =	sadd.s32 s12, s11;
	[dreg:$0x16] =	wrdreg s19  }
0x22: {  	s2 =	simm.s32 $0x0;
	s21 =	sadd.s32 s14, s11;
	[dreg:$0x17] =	wrdreg s20  }
0x23: {  	s22 =	sadd.s32 s15, s11;
	s23 =	sadd.s32 s16, s11;
	[dreg:$0x18] =	wrdreg s21  }
0x24: {  	s17 =	sadd.s32 s17, s11;
	s24 =	sadd.s32 s18, s11;
	[dreg:$0x19] =	wrdreg s22  }
0x25: {  	s26 =	sshrl.u32 s6, $0x3;
	s14 =	simm.s32 $0x40;
	[dreg:$0x1a] =	wrdreg s23  }
0x26: {  	s12 =	simm.s32 $0x1A000;
	s16 =	simm.s32 $0x9;
	[dreg:$0x1c] =	wrdreg s24  }
0x27: {  	s25 =	simm.s32 $0x12;
	s18 =	simm.s32 $0x13;
	[dreg:$0x1e] =	wrdreg s26  }
0x28: {  	s9 =	simm.s32 $0x15;
	s19 =	simm.s32 $0x1E280;
	[dreg:$0x1b] =	wrdreg s17  }
0x29: {  	s20 =	simm.s32 $0x1;
	s22 =	simm.s32 $0x2;
	s24 =	simm.s32 $0x3  }
0x2a: {  	v0 =	vimm.f32 $0.0e+00;
	s26 =	simm.s32 $0x4;
	s23 =	simm.s32 $0xF;
	s21 =	simm.s32 $0x14  }
.LBB2_1:
0x2b: {  	[dreg:$0x1f] =	wrdreg s2  }
0x2c: {  	s7 =	rddreg [dreg:$0x11]  }
0x2d: {  	s8 =	rddreg [dreg:$0x1e]  }
0x2e: {  	[spmem:s8], [sflag:s28] =	dma.local [hbm:s7], $0x2800  }
0x2f: {  	_ =	swait.ge [sflag:s9], $0x2800  }
0x30: {  	s0 =	smov.u32 s11;
	[sflag:s9] =	ssyncset.done $0x0  }
0x31: {  	s8 =	simm.s32 $0x200;
	s7 =	simm.s32 $0x0;
	[sflag:s9] =	ssyncadd.s32 $0xFFFFD800  }
.LBB2_2:
0x32: {  	p0 =	sne.s32 s8, $0x7E00;
	[tilespmem:s7+$0x14030] =	vst v0;
	s9 =	smov.u32 s8;
	s8 =	sadd.s32 $0x200, s8  }
.Ltmp0:
0x33: {  	[tilespmem:s7+$0x14020] =	vst v0;
	(pc) =	sbr.rel @p0 .LBB2_2-.Ltmp0, $3  }
0x34: {  	[tilespmem:s7+$0x14000] =	vst v0  }
0x35: {  	[tilespmem:s7+$0x14010] =	vst v0;
	_ =	sdelay $0x1  }
0x36: {  	s7 =	sshra.s32 s9, $0x2  }
0x37: {  	[tilespmem:s7+$0x14030] =	vst v0  }
0x38: {  	[tilespmem:s7+$0x14020] =	vst v0  }
0x39: {  	[tilespmem:s7+$0x14000] =	vst v0  }
0x3a: {  	[tilespmem:s7+$0x14010] =	vst v0;
	s11 =	rddreg [dreg:$0x13];
	s28 =	simm.s32 $0x14000;
	s8 =	simm.s32 $0x15  }
0x3b: {  	[spmem:s11] =	stream.linear.scatter [tilespmem:s28], [sflag:$0x15], $0x2000, $0x38;
	[tilespmem:$0x1E500] =	vst v63  }
0x3c: {  	_ =	swait.ge [sflag:s8], $0x2000  }
0x3d: {  	[sflag:s8] =	ssyncset.done $0x0  }
0x3e: {  	s15 =	rddreg [dreg:$0x14];
	[sflag:s8] =	ssyncadd.s32 $0xFFFFE000  }
0x3f: {  	[spmem:s15] =	stream.linear.scatter [tilespmem:s28], [sflag:$0x15], $0x2000, $0x38;
	[tilespmem:$0x1E500] =	vst v63  }
0x40: {  	_ =	swait.ge [sflag:s8], $0x2000  }
0x41: {  	[sflag:s8] =	ssyncset.done $0x0  }
0x42: {  	s2 =	rddreg [dreg:$0x15];
	[sflag:s8] =	ssyncadd.s32 $0xFFFFE000  }
0x43: {  	[spmem:s2] =	stream.linear.scatter [tilespmem:s28], [sflag:$0x15], $0x2000, $0x38;
	[tilespmem:$0x1E500] =	vst v63  }
0x44: {  	_ =	swait.ge [sflag:s8], $0x2000  }
0x45: {  	[sflag:s8] =	ssyncset.done $0x0  }
0x46: {  	s3 =	rddreg [dreg:$0x16];
	[sflag:s8] =	ssyncadd.s32 $0xFFFFE000  }
0x47: {  	[spmem:s3] =	stream.linear.scatter [tilespmem:s28], [sflag:$0x15], $0x2000, $0x38;
	[tilespmem:$0x1E500] =	vst v63  }
0x48: {  	_ =	swait.ge [sflag:s8], $0x2000  }
0x49: {  	[sflag:s8] =	ssyncset.done $0x0  }
0x4a: {  	s4 =	rddreg [dreg:$0x17];
	[sflag:s8] =	ssyncadd.s32 $0xFFFFE000  }
0x4b: {  	[spmem:s4] =	stream.linear.scatter [tilespmem:s28], [sflag:$0x15], $0x2000, $0x38;
	[tilespmem:$0x1E500] =	vst v63  }
0x4c: {  	_ =	swait.ge [sflag:s8], $0x2000  }
0x4d: {  	[sflag:s8] =	ssyncset.done $0x0  }
0x4e: {  	s5 =	rddreg [dreg:$0x18];
	[sflag:s8] =	ssyncadd.s32 $0xFFFFE000  }
0x4f: {  	[spmem:s5] =	stream.linear.scatter [tilespmem:s28], [sflag:$0x15], $0x2000, $0x38;
	[tilespmem:$0x1E500] =	vst v63  }
0x50: {  	_ =	swait.ge [sflag:s8], $0x2000  }
0x51: {  	[sflag:s8] =	ssyncset.done $0x0  }
0x52: {  	s6 =	rddreg [dreg:$0x19];
	[sflag:s8] =	ssyncadd.s32 $0xFFFFE000  }
0x53: {  	[spmem:s6] =	stream.linear.scatter [tilespmem:s28], [sflag:$0x15], $0x2000, $0x38;
	[tilespmem:$0x1E500] =	vst v63  }
0x54: {  	_ =	swait.ge [sflag:s8], $0x2000  }
0x55: {  	[sflag:s8] =	ssyncset.done $0x0  }
0x56: {  	s9 =	rddreg [dreg:$0x1a];
	[sflag:s8] =	ssyncadd.s32 $0xFFFFE000  }
0x57: {  	[spmem:s9] =	stream.linear.scatter [tilespmem:s28], [sflag:$0x15], $0x2000, $0x38;
	[tilespmem:$0x1E500] =	vst v63  }
0x58: {  	_ =	swait.ge [sflag:s8], $0x2000  }
0x59: {  	[sflag:s8] =	ssyncset.done $0x0  }
0x5a: {  	[sflag:s8] =	ssyncadd.s32 $0xFFFFE000  }
0x5b: {  	[spmem:s17] =	stream.linear.scatter [tilespmem:s28], [sflag:$0x15], $0x2000, $0x38;
	[tilespmem:$0x1E500] =	vst v63  }
0x5c: {  	_ =	swait.ge [sflag:s8], $0x2000  }
0x5d: {  	[sflag:s8] =	ssyncset.done $0x0  }
0x5e: {  	s10 =	rddreg [dreg:$0x1c];
	[sflag:s8] =	ssyncadd.s32 $0xFFFFE000  }
0x5f: {  	[spmem:s10] =	stream.linear.scatter [tilespmem:s28], [sflag:$0x15], $0x2000, $0x38;
	[tilespmem:$0x1E500] =	vst v63  }
0x60: {  	_ =	swait.ge [sflag:s8], $0x2000  }
0x61: {  	[sflag:s8] =	ssyncset.done $0x0  }
0x62: {  	[sflag:s8] =	ssyncadd.s32 $0xFFFFE000  }
0x63: {  	[bflag:$0x0] =	sbarrier.arrive $0xFFFF  }
0x64: {  	s11 =	rddreg [dreg:$0x6]  }
0x65: {  	s17 =	simm.s32 $0x1E000;
	s15 =	rddreg [dreg:$0x5];
	s7 =	sadd.s32 $0x0, s11  }
0x66: {  	[tilespmem:s17], [sflag:$0x1] =	stream.linear.gather [hbm4b:s7+s1], $0x40, $0x38;
	[tilespmem:$0x1E500] =	vst v63  }
0x67: {  	s8 =	sadd.s32 $0x0, s15  }
0x68: {  	[tilespmem:s19], [sflag:$0x6] =	stream.linear.gather [hbm4b:s8+s1], $0x40, $0x38;
	[tilespmem:$0x1E500] =	vst v63  }
0x69: {  	s4 =	simm.s32 $0x1E080;
	s9 =	sadd.s32 $0x8, s7  }
0x6a: {  	[tilespmem:s4], [sflag:$0x2] =	stream.linear.gather [hbm4b:s9+s1], $0x40, $0x38;
	[tilespmem:$0x1E500] =	vst v63  }
0x6b: {  	s3 =	simm.s32 $0x1E300;
	s2 =	sadd.s32 $0x8, s8  }
0x6c: {  	[tilespmem:s3], [sflag:$0x7] =	stream.linear.gather [hbm4b:s2+s1], $0x40, $0x38;
	[tilespmem:$0x1E500] =	vst v63  }
0x6d: {  	s10 =	simm.s32 $0x1E100;
	s5 =	sadd.s32 $0x10, s7  }
0x6e: {  	[tilespmem:s10], [sflag:$0x3] =	stream.linear.gather [hbm4b:s5+s1], $0x40, $0x38;
	[tilespmem:$0x1E500] =	vst v63  }
0x6f: {  	s6 =	sadd.s32 $0x10, s8;
	s2 =	simm.s32 $0x1E380  }
0x70: {  	[tilespmem:s2], [sflag:$0x8] =	stream.linear.gather [hbm4b:s6+s1], $0x40, $0x38;
	[tilespmem:$0x1E500] =	vst v63  }
0x71: {  	s15 =	simm.s32 $0x1E180;
	s11 =	sadd.s32 $0x18, s7  }
0x72: {  	[tilespmem:s15], [sflag:$0x4] =	stream.linear.gather [hbm4b:s11+s1], $0x40, $0x38;
	[tilespmem:$0x1E500] =	vst v63  }
0x73: {  	s5 =	sadd.s32 $0x18, s8;
	s11 =	simm.s32 $0x1E400  }
0x74: {  	[tilespmem:s11], [sflag:$0x9] =	stream.linear.gather [hbm4b:s5+s1], $0x40, $0x38;
	[tilespmem:$0x1E500] =	vst v63  }
0x75: {  	s7 =	sadd.s32 $0x20, s7;
	s9 =	simm.s32 $0x1E200  }
0x76: {  	[tilespmem:s9], [sflag:$0x5] =	stream.linear.gather [hbm4b:s7+s1], $0x40, $0x38;
	[tilespmem:$0x1E500] =	vst v63  }
0x77: {  	s6 =	sadd.s32 $0x20, s8;
	s8 =	simm.s32 $0x1E480  }
0x78: {  	[tilespmem:s8], [sflag:$0xA] =	stream.linear.gather [hbm4b:s6+s1], $0x40, $0x38;
	[tilespmem:$0x1E500] =	vst v63  }
0x79: {  	_ =	swait.ge [sflag:s20], $0x40  }
0x7a: {  	[sflag:s20] =	ssyncset.done $0x0  }
0x7b: {  	[sflag:s20] =	ssyncadd.s32 $0xFFFFFFC0  }
0x7c: {  	[tilespmem:s28], [sflag:$0xB] =	stream.indirect.gather [spmem:s13], $0x40, s17, s14, $0xb8;
	[tilespmem:$0x1E500] =	vst v63  }
0x7d: {  	_ =	swait.ge [sflag:s22], $0x40  }
0x7e: {  	[sflag:s22] =	ssyncset.done $0x0  }
0x7f: {  	s6 =	simm.s32 $0x16000;
	[sflag:s22] =	ssyncadd.s32 $0xFFFFFFC0  }
0x80: {  	[tilespmem:s6], [sflag:$0xC] =	stream.indirect.gather [spmem:s13], $0x40, s4, s14, $0xb8;
	[tilespmem:$0x1E500] =	vst v63  }
0x81: {  	_ =	swait.ge [sflag:s24], $0x40  }
0x82: {  	[sflag:s24] =	ssyncset.done $0x0  }
0x83: {  	s5 =	simm.s32 $0x18000;
	[sflag:s24] =	ssyncadd.s32 $0xFFFFFFC0  }
0x84: {  	[tilespmem:s5], [sflag:$0xD] =	stream.indirect.gather [spmem:s13], $0x40, s10, s14, $0xb8;
	[tilespmem:$0x1E500] =	vst v63  }
0x85: {  	_ =	swait.ge [sflag:s26], $0x40  }
0x86: {  	[sflag:s26] =	ssyncset.done $0x0  }
0x87: {  	[sflag:s26] =	ssyncadd.s32 $0xFFFFFFC0  }
0x88: {  	[tilespmem:s12], [sflag:$0xE] =	stream.indirect.gather [spmem:s13], $0x40, s15, s14, $0xb8;
	[tilespmem:$0x1E500] =	vst v63  }
0x89: {  	s15 =	simm.s32 $0x5  }
0x8a: {  	_ =	swait.ge [sflag:s15], $0x40  }
0x8b: {  	[sflag:s15] =	ssyncset.done $0x0  }
0x8c: {  	s7 =	simm.s32 $0x1C000;
	[sflag:s15] =	ssyncadd.s32 $0xFFFFFFC0  }
0x8d: {  	[tilespmem:s7], [sflag:$0xF] =	stream.indirect.gather [spmem:s13], $0x40, s9, s14, $0xb8;
	[tilespmem:$0x1E500] =	vst v63  }
0x8e: {  	_ =	swait.ge [sflag:s30], $0x1000  }
0x8f: {  	[sflag:s30] =	ssyncset.done $0x0  }
0x90: {  	s17 =	simm.s32 $0x6;
	[sflag:s30] =	ssyncadd.s32 $0xFFFFF000  }
0x91: {  	_ =	swait.ge [sflag:s17], $0x40  }
0x92: {  	[sflag:s17] =	ssyncset.done $0x0  }
0x93: {  	[sflag:s17] =	ssyncadd.s32 $0xFFFFFFC0  }
0x94: {  	[spmem:s0] =	stream.indirect.scatter.add.f32 [tilespmem:s28], [sflag:$0x10], $0x40, s19, s14, $0xb8;
	[tilespmem:$0x1E500] =	vst v63  }
0x95: {  	s28 =	simm.s32 $0xC  }
0x96: {  	_ =	swait.ge [sflag:s28], $0x1000  }
0x97: {  	[sflag:s28] =	ssyncset.done $0x0  }
0x98: {  	[sflag:s28] =	ssyncadd.s32 $0xFFFFF000  }
0x99: {  	_ =	swait.ge [sflag:s31], $0x40  }
0x9a: {  	[sflag:s31] =	ssyncset.done $0x0  }
0x9b: {  	s10 =	simm.s32 $0x10;
	[sflag:s31] =	ssyncadd.s32 $0xFFFFFFC0  }
0x9c: {  	_ =	swait.ge [sflag:s10], $0x1000  }
0x9d: {  	[sflag:s10] =	ssyncset.done $0x0  }
0x9e: {  	s12 =	simm.s32 $0xD;
	[sflag:s10] =	ssyncadd.s32 $0xFFFFF000  }
0x9f: {  	[spmem:s0] =	stream.indirect.scatter.add.f32 [tilespmem:s6], [sflag:$0x11], $0x40, s3, s14, $0xb8;
	[tilespmem:$0x1E500] =	vst v63  }
0xa0: {  	_ =	swait.ge [sflag:s12], $0x1000  }
0xa1: {  	[sflag:s12] =	ssyncset.done $0x0  }
0xa2: {  	s15 =	simm.s32 $0x8;
	[sflag:s12] =	ssyncadd.s32 $0xFFFFF000  }
0xa3: {  	_ =	swait.ge [sflag:s15], $0x40  }
0xa4: {  	[sflag:s15] =	ssyncset.done $0x0  }
0xa5: {  	s17 =	simm.s32 $0x11;
	[sflag:s15] =	ssyncadd.s32 $0xFFFFFFC0  }
0xa6: {  	_ =	swait.ge [sflag:s17], $0x1000  }
0xa7: {  	[sflag:s17] =	ssyncset.done $0x0  }
0xa8: {  	s19 =	simm.s32 $0xE;
	[sflag:s17] =	ssyncadd.s32 $0xFFFFF000  }
0xa9: {  	[spmem:s0] =	stream.indirect.scatter.add.f32 [tilespmem:s5], [sflag:$0x12], $0x40, s2, s14, $0xb8;
	[tilespmem:$0x1E500] =	vst v63  }
0xaa: {  	_ =	swait.ge [sflag:s19], $0x1000  }
0xab: {  	[sflag:s19] =	ssyncset.done $0x0  }
0xac: {  	[sflag:s19] =	ssyncadd.s32 $0xFFFFF000  }
0xad: {  	_ =	swait.ge [sflag:s16], $0x40  }
0xae: {  	[sflag:s16] =	ssyncset.done $0x0  }
0xaf: {  	[sflag:s16] =	ssyncadd.s32 $0xFFFFFFC0  }
0xb0: {  	_ =	swait.ge [sflag:s25], $0x1000  }
0xb1: {  	[sflag:s25] =	ssyncset.done $0x0  }
0xb2: {  	s4 =	simm.s32 $0x1A000;
	[sflag:s25] =	ssyncadd.s32 $0xFFFFF000  }
0xb3: {  	[spmem:s0] =	stream.indirect.scatter.add.f32 [tilespmem:s4], [sflag:$0x13], $0x40, s11, s14, $0xb8;
	[tilespmem:$0x1E500] =	vst v63  }
0xb4: {  	_ =	swait.ge [sflag:s23], $0x1000  }
0xb5: {  	[sflag:s23] =	ssyncset.done $0x0  }
0xb6: {  	s28 =	simm.s32 $0xA;
	[sflag:s23] =	ssyncadd.s32 $0xFFFFF000  }
0xb7: {  	_ =	swait.ge [sflag:s28], $0x40  }
0xb8: {  	[sflag:s28] =	ssyncset.done $0x0  }
0xb9: {  	[sflag:s28] =	ssyncadd.s32 $0xFFFFFFC0  }
0xba: {  	_ =	swait.ge [sflag:s18], $0x1000  }
0xbb: {  	[sflag:s18] =	ssyncset.done $0x0  }
0xbc: {  	[sflag:s18] =	ssyncadd.s32 $0xFFFFF000  }
0xbd: {  	[spmem:s0] =	stream.indirect.scatter.add.f32 [tilespmem:s7], [sflag:$0x14], $0x40, s8, s14, $0xb8;
	[tilespmem:$0x1E500] =	vst v63  }
0xbe: {  	s7 =	simm.s32 $0x28;
	_ =	swait.ge [sflag:s21], $0x1000  }
0xbf: {  	s8 =	simm.s32 $0x50;
	s9 =	rddreg [dreg:$0x6];
	[sflag:s21] =	ssyncset.done $0x0  }
.LBB2_4:
0xc0: {  	[sflag:s21] =	ssyncadd.s32 $0xFFFFF000  }
0xc1: {  	s19 =	simm.s32 $0x1E000;
	s17 =	rddreg [dreg:$0x5];
	s9 =	sadd.s32 s7, s9  }
0xc2: {  	[tilespmem:s19], [sflag:$0x1] =	stream.linear.gather [hbm4b:s9+s1], $0x40, $0x38;
	[tilespmem:$0x1E500] =	vst v63  }
0xc3: {  	s28 =	smov.u32 s8;
	s19 =	simm.s32 $0x1E280;
	s17 =	sadd.s32 s7, s17  }
0xc4: {  	[tilespmem:s19], [sflag:$0x6] =	stream.linear.gather [hbm4b:s17+s1], $0x40, $0x38;
	[tilespmem:$0x1E500] =	vst v63  }
0xc5: {  	s4 =	simm.s32 $0x1E080;
	s7 =	smov.u32 s28;
	s28 =	sadd.s32 $0x8, s9  }
0xc6: {  	[tilespmem:s4], [sflag:$0x2] =	stream.linear.gather [hbm4b:s28+s1], $0x40, $0x38;
	[tilespmem:$0x1E500] =	vst v63  }
0xc7: {  	s3 =	simm.s32 $0x1E300;
	s28 =	sadd.s32 $0x8, s17  }
0xc8: {  	[tilespmem:s3], [sflag:$0x7] =	stream.linear.gather [hbm4b:s28+s1], $0x40, $0x38;
	[tilespmem:$0x1E500] =	vst v63  }
0xc9: {  	s10 =	simm.s32 $0x1E100;
	s28 =	sadd.s32 $0x10, s9  }
0xca: {  	[tilespmem:s10], [sflag:$0x3] =	stream.linear.gather [hbm4b:s28+s1], $0x40, $0x38;
	[tilespmem:$0x1E500] =	vst v63  }
0xcb: {  	s2 =	simm.s32 $0x1E380;
	s28 =	sadd.s32 $0x10, s17  }
0xcc: {  	[tilespmem:s2], [sflag:$0x8] =	stream.linear.gather [hbm4b:s28+s1], $0x40, $0x38;
	[tilespmem:$0x1E500] =	vst v63  }
0xcd: {  	s12 =	simm.s32 $0x1E180;
	s28 =	sadd.s32 $0x18, s9  }
0xce: {  	[tilespmem:s12], [sflag:$0x4] =	stream.linear.gather [hbm4b:s28+s1], $0x40, $0x38;
	[tilespmem:$0x1E500] =	vst v63  }
0xcf: {  	s11 =	simm.s32 $0x1E400;
	s28 =	sadd.s32 $0x18, s17  }
0xd0: {  	[tilespmem:s11], [sflag:$0x9] =	stream.linear.gather [hbm4b:s28+s1], $0x40, $0x38;
	[tilespmem:$0x1E500] =	vst v63  }
0xd1: {  	s15 =	simm.s32 $0x1E200;
	s9 =	sadd.s32 $0x20, s9  }
0xd2: {  	[tilespmem:s15], [sflag:$0x5] =	stream.linear.gather [hbm4b:s9+s1], $0x40, $0x38;
	[tilespmem:$0x1E500] =	vst v63  }
0xd3: {  	s6 =	sadd.s32 $0x20, s17  }
0xd4: {  	[tilespmem:s29], [sflag:$0xA] =	stream.linear.gather [hbm4b:s6+s1], $0x40, $0x38;
	[tilespmem:$0x1E500] =	vst v63  }
0xd5: {  	_ =	swait.ge [sflag:s20], $0x40  }
0xd6: {  	[sflag:s20] =	ssyncset.done $0x0  }
0xd7: {  	s17 =	simm.s32 $0x1E000;
	s28 =	simm.s32 $0x14000;
	[sflag:s20] =	ssyncadd.s32 $0xFFFFFFC0  }
0xd8: {  	[tilespmem:s28], [sflag:$0xB] =	stream.indirect.gather [spmem:s13], $0x40, s17, s14, $0xb8;
	[tilespmem:$0x1E500] =	vst v63  }
0xd9: {  	_ =	swait.ge [sflag:s22], $0x40  }
0xda: {  	[sflag:s22] =	ssyncset.done $0x0  }
0xdb: {  	s6 =	simm.s32 $0x16000;
	[sflag:s22] =	ssyncadd.s32 $0xFFFFFFC0  }
0xdc: {  	[tilespmem:s6], [sflag:$0xC] =	stream.indirect.gather [spmem:s13], $0x40, s4, s14, $0xb8;
	[tilespmem:$0x1E500] =	vst v63  }
0xdd: {  	_ =	swait.ge [sflag:s24], $0x40  }
0xde: {  	[sflag:s24] =	ssyncset.done $0x0  }
0xdf: {  	s5 =	simm.s32 $0x18000;
	[sflag:s24] =	ssyncadd.s32 $0xFFFFFFC0  }
0xe0: {  	[tilespmem:s5], [sflag:$0xD] =	stream.indirect.gather [spmem:s13], $0x40, s10, s14, $0xb8;
	[tilespmem:$0x1E500] =	vst v63  }
0xe1: {  	_ =	swait.ge [sflag:s26], $0x40  }
0xe2: {  	[sflag:s26] =	ssyncset.done $0x0  }
0xe3: {  	s4 =	simm.s32 $0x1A000;
	s10 =	simm.s32 $0x5;
	[sflag:s26] =	ssyncadd.s32 $0xFFFFFFC0  }
0xe4: {  	[tilespmem:s4], [sflag:$0xE] =	stream.indirect.gather [spmem:s13], $0x40, s12, s14, $0xb8;
	[tilespmem:$0x1E500] =	vst v63  }
0xe5: {  	_ =	swait.ge [sflag:s10], $0x40  }
0xe6: {  	[sflag:s10] =	ssyncset.done $0x0  }
0xe7: {  	s9 =	simm.s32 $0x1C000;
	[sflag:s10] =	ssyncadd.s32 $0xFFFFFFC0  }
0xe8: {  	[tilespmem:s9], [sflag:$0xF] =	stream.indirect.gather [spmem:s13], $0x40, s15, s14, $0xb8;
	[tilespmem:$0x1E500] =	vst v63  }
0xe9: {  	_ =	swait.ge [sflag:s30], $0x1000  }
0xea: {  	[sflag:s30] =	ssyncset.done $0x0  }
0xeb: {  	s12 =	simm.s32 $0x6;
	[sflag:s30] =	ssyncadd.s32 $0xFFFFF000  }
0xec: {  	_ =	swait.ge [sflag:s12], $0x40  }
0xed: {  	[sflag:s12] =	ssyncset.done $0x0  }
0xee: {  	s15 =	simm.s32 $0xC;
	[sflag:s12] =	ssyncadd.s32 $0xFFFFFFC0  }
0xef: {  	[spmem:s0] =	stream.indirect.scatter.add.f32 [tilespmem:s28], [sflag:$0x10], $0x40, s19, s14, $0xb8;
	[tilespmem:$0x1E500] =	vst v63  }
0xf0: {  	_ =	swait.ge [sflag:s15], $0x1000  }
0xf1: {  	[sflag:s15] =	ssyncset.done $0x0  }
0xf2: {  	[sflag:s15] =	ssyncadd.s32 $0xFFFFF000  }
0xf3: {  	_ =	swait.ge [sflag:s31], $0x40  }
0xf4: {  	[sflag:s31] =	ssyncset.done $0x0  }
0xf5: {  	s12 =	simm.s32 $0x10;
	[sflag:s31] =	ssyncadd.s32 $0xFFFFFFC0  }
0xf6: {  	_ =	swait.ge [sflag:s12], $0x1000  }
0xf7: {  	[sflag:s12] =	ssyncset.done $0x0  }
0xf8: {  	s15 =	simm.s32 $0xD;
	[sflag:s12] =	ssyncadd.s32 $0xFFFFF000  }
0xf9: {  	[spmem:s0] =	stream.indirect.scatter.add.f32 [tilespmem:s6], [sflag:$0x11], $0x40, s3, s14, $0xb8;
	[tilespmem:$0x1E500] =	vst v63  }
0xfa: {  	_ =	swait.ge [sflag:s15], $0x1000  }
0xfb: {  	[sflag:s15] =	ssyncset.done $0x0  }
0xfc: {  	s6 =	simm.s32 $0x8;
	[sflag:s15] =	ssyncadd.s32 $0xFFFFF000  }
0xfd: {  	_ =	swait.ge [sflag:s6], $0x40  }
0xfe: {  	[sflag:s6] =	ssyncset.done $0x0  }
0xff: {  	s10 =	simm.s32 $0x11;
	[sflag:s6] =	ssyncadd.s32 $0xFFFFFFC0  }
0x100: {  	_ =	swait.ge [sflag:s10], $0x1000  }
0x101: {  	[sflag:s10] =	ssyncset.done $0x0  }
0x102: {  	s12 =	simm.s32 $0xE;
	[sflag:s10] =	ssyncadd.s32 $0xFFFFF000  }
0x103: {  	[spmem:s0] =	stream.indirect.scatter.add.f32 [tilespmem:s5], [sflag:$0x12], $0x40, s2, s14, $0xb8;
	[tilespmem:$0x1E500] =	vst v63  }
0x104: {  	_ =	swait.ge [sflag:s12], $0x1000  }
0x105: {  	[sflag:s12] =	ssyncset.done $0x0  }
0x106: {  	[sflag:s12] =	ssyncadd.s32 $0xFFFFF000  }
0x107: {  	_ =	swait.ge [sflag:s16], $0x40  }
0x108: {  	[sflag:s16] =	ssyncset.done $0x0  }
0x109: {  	[sflag:s16] =	ssyncadd.s32 $0xFFFFFFC0  }
0x10a: {  	_ =	swait.ge [sflag:s25], $0x1000  }
0x10b: {  	[sflag:s25] =	ssyncset.done $0x0  }
0x10c: {  	[sflag:s25] =	ssyncadd.s32 $0xFFFFF000  }
0x10d: {  	[spmem:s0] =	stream.indirect.scatter.add.f32 [tilespmem:s4], [sflag:$0x13], $0x40, s11, s14, $0xb8;
	[tilespmem:$0x1E500] =	vst v63  }
0x10e: {  	_ =	swait.ge [sflag:s23], $0x1000  }
0x10f: {  	[sflag:s23] =	ssyncset.done $0x0  }
0x110: {  	s15 =	simm.s32 $0xA;
	[sflag:s23] =	ssyncadd.s32 $0xFFFFF000  }
0x111: {  	_ =	swait.ge [sflag:s15], $0x40  }
0x112: {  	[sflag:s15] =	ssyncset.done $0x0  }
0x113: {  	[sflag:s15] =	ssyncadd.s32 $0xFFFFFFC0  }
0x114: {  	p0 =	sne.s32 s8, $0x9D8;
	_ =	swait.ge [sflag:s18], $0x1000  }
.Ltmp1:
0x115: {  	[sflag:s18] =	ssyncset.done $0x0;
	(pc) =	sbr.rel @p0 .LBB2_4-.Ltmp1, $4  }
0x116: {  	[sflag:s18] =	ssyncadd.s32 $0xFFFFF000  }
0x117: {  	[spmem:s0] =	stream.indirect.scatter.add.f32 [tilespmem:s9], [sflag:$0x14], $0x40, s29, s14, $0xb8;
	[tilespmem:$0x1E500] =	vst v63  }
0x118: {  	_ =	swait.ge [sflag:s21], $0x1000  }
0x119: {  	s8 =	sadd.s32 $0x28, s8;
	s9 =	rddreg [dreg:$0x6];
	[sflag:s21] =	ssyncset.done $0x0  }
0x11a: {  	s8 =	rddreg [dreg:$0x5];
	[sflag:s21] =	ssyncadd.s32 $0xFFFFF000;
	s9 =	sadd.s32 s7, s9  }
0x11b: {  	[tilespmem:s17], [sflag:$0x1] =	stream.linear.gather [hbm4b:s9+s1], $0x40, $0x38;
	[tilespmem:$0x1E500] =	vst v63  }
0x11c: {  	s7 =	sadd.s32 s7, s8  }
0x11d: {  	[tilespmem:s19], [sflag:$0x6] =	stream.linear.gather [hbm4b:s7+s1], $0x40, $0x38;
	[tilespmem:$0x1E500] =	vst v63  }
0x11e: {  	s4 =	simm.s32 $0x1E080;
	s10 =	sadd.s32 $0x8, s9  }
0x11f: {  	[tilespmem:s4], [sflag:$0x2] =	stream.linear.gather [hbm4b:s10+s1], $0x40, $0x38;
	[tilespmem:$0x1E500] =	vst v63  }
0x120: {  	s3 =	simm.s32 $0x1E300;
	s11 =	sadd.s32 $0x8, s7  }
0x121: {  	[tilespmem:s3], [sflag:$0x7] =	stream.linear.gather [hbm4b:s11+s1], $0x40, $0x38;
	[tilespmem:$0x1E500] =	vst v63  }
0x122: {  	s12 =	sadd.s32 $0x10, s9;
	s10 =	simm.s32 $0x1E100  }
0x123: {  	[tilespmem:s10], [sflag:$0x3] =	stream.linear.gather [hbm4b:s12+s1], $0x40, $0x38;
	[tilespmem:$0x1E500] =	vst v63  }
0x124: {  	s2 =	simm.s32 $0x1E380;
	s15 =	sadd.s32 $0x10, s7  }
0x125: {  	[tilespmem:s2], [sflag:$0x8] =	stream.linear.gather [hbm4b:s15+s1], $0x40, $0x38;
	[tilespmem:$0x1E500] =	vst v63  }
0x126: {  	s5 =	sadd.s32 $0x18, s9;
	s12 =	simm.s32 $0x1E180  }
0x127: {  	[tilespmem:s12], [sflag:$0x4] =	stream.linear.gather [hbm4b:s5+s1], $0x40, $0x38;
	[tilespmem:$0x1E500] =	vst v63  }
0x128: {  	s6 =	sadd.s32 $0x18, s7;
	s11 =	simm.s32 $0x1E400  }
0x129: {  	[tilespmem:s11], [sflag:$0x9] =	stream.linear.gather [hbm4b:s6+s1], $0x40, $0x38;
	[tilespmem:$0x1E500] =	vst v63  }
0x12a: {  	s9 =	sadd.s32 $0x20, s9;
	s15 =	simm.s32 $0x1E200  }
0x12b: {  	[tilespmem:s15], [sflag:$0x5] =	stream.linear.gather [hbm4b:s9+s1], $0x40, $0x38;
	[tilespmem:$0x1E500] =	vst v63  }
0x12c: {  	s8 =	simm.s32 $0x1E480;
	s7 =	sadd.s32 $0x20, s7  }
0x12d: {  	[tilespmem:s8], [sflag:$0xA] =	stream.linear.gather [hbm4b:s7+s1], $0x40, $0x38;
	[tilespmem:$0x1E500] =	vst v63  }
0x12e: {  	_ =	swait.ge [sflag:s20], $0x40  }
0x12f: {  	[sflag:s20] =	ssyncset.done $0x0  }
0x130: {  	[sflag:s20] =	ssyncadd.s32 $0xFFFFFFC0  }
0x131: {  	[tilespmem:s28], [sflag:$0xB] =	stream.indirect.gather [spmem:s13], $0x40, s17, s14, $0xb8;
	[tilespmem:$0x1E500] =	vst v63  }
0x132: {  	_ =	swait.ge [sflag:s22], $0x40  }
0x133: {  	[sflag:s22] =	ssyncset.done $0x0  }
0x134: {  	s6 =	simm.s32 $0x16000;
	[sflag:s22] =	ssyncadd.s32 $0xFFFFFFC0  }
0x135: {  	[tilespmem:s6], [sflag:$0xC] =	stream.indirect.gather [spmem:s13], $0x40, s4, s14, $0xb8;
	[tilespmem:$0x1E500] =	vst v63  }
0x136: {  	_ =	swait.ge [sflag:s24], $0x40  }
0x137: {  	[sflag:s24] =	ssyncset.done $0x0  }
0x138: {  	s5 =	simm.s32 $0x18000;
	[sflag:s24] =	ssyncadd.s32 $0xFFFFFFC0  }
0x139: {  	[tilespmem:s5], [sflag:$0xD] =	stream.indirect.gather [spmem:s13], $0x40, s10, s14, $0xb8;
	[tilespmem:$0x1E500] =	vst v63  }
0x13a: {  	_ =	swait.ge [sflag:s26], $0x40  }
0x13b: {  	[sflag:s26] =	ssyncset.done $0x0  }
0x13c: {  	s17 =	simm.s32 $0x5;
	s4 =	simm.s32 $0x1A000;
	[sflag:s26] =	ssyncadd.s32 $0xFFFFFFC0  }
0x13d: {  	[tilespmem:s4], [sflag:$0xE] =	stream.indirect.gather [spmem:s13], $0x40, s12, s14, $0xb8;
	[tilespmem:$0x1E500] =	vst v63  }
0x13e: {  	_ =	swait.ge [sflag:s17], $0x40  }
0x13f: {  	[sflag:s17] =	ssyncset.done $0x0  }
0x140: {  	s7 =	simm.s32 $0x1C000;
	[sflag:s17] =	ssyncadd.s32 $0xFFFFFFC0  }
0x141: {  	[tilespmem:s7], [sflag:$0xF] =	stream.indirect.gather [spmem:s13], $0x40, s15, s14, $0xb8;
	[tilespmem:$0x1E500] =	vst v63  }
0x142: {  	_ =	swait.ge [sflag:s30], $0x1000  }
0x143: {  	[sflag:s30] =	ssyncset.done $0x0  }
0x144: {  	s10 =	simm.s32 $0x6;
	[sflag:s30] =	ssyncadd.s32 $0xFFFFF000  }
0x145: {  	_ =	swait.ge [sflag:s10], $0x40  }
0x146: {  	[sflag:s10] =	ssyncset.done $0x0  }
0x147: {  	s12 =	simm.s32 $0xC;
	[sflag:s10] =	ssyncadd.s32 $0xFFFFFFC0  }
0x148: {  	[spmem:s0] =	stream.indirect.scatter.add.f32 [tilespmem:s28], [sflag:$0x10], $0x40, s19, s14, $0xb8;
	[tilespmem:$0x1E500] =	vst v63  }
0x149: {  	_ =	swait.ge [sflag:s12], $0x1000  }
0x14a: {  	[sflag:s12] =	ssyncset.done $0x0  }
0x14b: {  	[sflag:s12] =	ssyncadd.s32 $0xFFFFF000  }
0x14c: {  	_ =	swait.ge [sflag:s31], $0x40  }
0x14d: {  	[sflag:s31] =	ssyncset.done $0x0  }
0x14e: {  	s15 =	simm.s32 $0x10;
	[sflag:s31] =	ssyncadd.s32 $0xFFFFFFC0  }
0x14f: {  	_ =	swait.ge [sflag:s15], $0x1000  }
0x150: {  	[sflag:s15] =	ssyncset.done $0x0  }
0x151: {  	s17 =	simm.s32 $0xD;
	[sflag:s15] =	ssyncadd.s32 $0xFFFFF000  }
0x152: {  	[spmem:s0] =	stream.indirect.scatter.add.f32 [tilespmem:s6], [sflag:$0x11], $0x40, s3, s14, $0xb8;
	[tilespmem:$0x1E500] =	vst v63  }
0x153: {  	_ =	swait.ge [sflag:s17], $0x1000  }
0x154: {  	[sflag:s17] =	ssyncset.done $0x0  }
0x155: {  	s6 =	simm.s32 $0x8;
	[sflag:s17] =	ssyncadd.s32 $0xFFFFF000  }
0x156: {  	_ =	swait.ge [sflag:s6], $0x40  }
0x157: {  	[sflag:s6] =	ssyncset.done $0x0  }
0x158: {  	s9 =	simm.s32 $0x11;
	[sflag:s6] =	ssyncadd.s32 $0xFFFFFFC0  }
0x159: {  	_ =	swait.ge [sflag:s9], $0x1000  }
0x15a: {  	[sflag:s9] =	ssyncset.done $0x0  }
0x15b: {  	s10 =	simm.s32 $0xE;
	[sflag:s9] =	ssyncadd.s32 $0xFFFFF000  }
0x15c: {  	[spmem:s0] =	stream.indirect.scatter.add.f32 [tilespmem:s5], [sflag:$0x12], $0x40, s2, s14, $0xb8;
	[tilespmem:$0x1E500] =	vst v63  }
0x15d: {  	_ =	swait.ge [sflag:s10], $0x1000  }
0x15e: {  	[sflag:s10] =	ssyncset.done $0x0  }
0x15f: {  	[sflag:s10] =	ssyncadd.s32 $0xFFFFF000  }
0x160: {  	_ =	swait.ge [sflag:s16], $0x40  }
0x161: {  	[sflag:s16] =	ssyncset.done $0x0  }
0x162: {  	[sflag:s16] =	ssyncadd.s32 $0xFFFFFFC0  }
0x163: {  	_ =	swait.ge [sflag:s25], $0x1000  }
0x164: {  	[sflag:s25] =	ssyncset.done $0x0  }
0x165: {  	[sflag:s25] =	ssyncadd.s32 $0xFFFFF000  }
0x166: {  	[spmem:s0] =	stream.indirect.scatter.add.f32 [tilespmem:s4], [sflag:$0x13], $0x40, s11, s14, $0xb8;
	[tilespmem:$0x1E500] =	vst v63  }
0x167: {  	_ =	swait.ge [sflag:s23], $0x1000  }
0x168: {  	[sflag:s23] =	ssyncset.done $0x0  }
0x169: {  	s11 =	simm.s32 $0xA;
	[sflag:s23] =	ssyncadd.s32 $0xFFFFF000  }
0x16a: {  	_ =	swait.ge [sflag:s11], $0x40  }
0x16b: {  	[sflag:s11] =	ssyncset.done $0x0  }
0x16c: {  	[sflag:s11] =	ssyncadd.s32 $0xFFFFFFC0  }
0x16d: {  	_ =	swait.ge [sflag:s18], $0x1000  }
0x16e: {  	[sflag:s18] =	ssyncset.done $0x0  }
0x16f: {  	[sflag:s18] =	ssyncadd.s32 $0xFFFFF000  }
0x170: {  	[spmem:s0] =	stream.indirect.scatter.add.f32 [tilespmem:s7], [sflag:$0x14], $0x40, s8, s14, $0xb8;
	[tilespmem:$0x1E500] =	vst v63  }
0x171: {  	_ =	swait.ge [sflag:s21], $0x1000  }
0x172: {  	[sflag:s21] =	ssyncset.done $0x0  }
0x173: {  	[sflag:s21] =	ssyncadd.s32 $0xFFFFF000  }
0x174: {  	[bflag:$0x0] =	sbarrier.arrive $0xFFFF  }
0x175: {  	s12 =	rddreg [dreg:$0x13]  }
0x176: {  	s15 =	rddreg [dreg:$0x10]  }
0x177: {  	s9 =	simm.s32 $0x15;
	s28 =	rddreg [dreg:$0x12];
	s7 =	sshrl.u32 s12, $0x3  }
0x178: {  	[hbm:s15], [sflag:s28] =	dma.local [spmem:s7], $0x400  }
0x179: {  	_ =	swait.ge [sflag:s9], $0x400  }
0x17a: {  	[sflag:s9] =	ssyncset.done $0x0;
	s17 =	rddreg [dreg:$0x14]  }
0x17b: {  	s2 =	rddreg [dreg:$0x7];
	[sflag:s9] =	ssyncadd.s32 $0xFFFFFC00;
	s7 =	sshrl.u32 s17, $0x3  }
0x17c: {  	[hbm:s2], [sflag:s28] =	dma.local [spmem:s7], $0x400  }
0x17d: {  	_ =	swait.ge [sflag:s9], $0x400  }
0x17e: {  	[sflag:s9] =	ssyncset.done $0x0;
	s3 =	rddreg [dreg:$0x15]  }
0x17f: {  	s4 =	rddreg [dreg:$0x8];
	[sflag:s9] =	ssyncadd.s32 $0xFFFFFC00;
	s7 =	sshrl.u32 s3, $0x3  }
0x180: {  	[hbm:s4], [sflag:s28] =	dma.local [spmem:s7], $0x400  }
0x181: {  	_ =	swait.ge [sflag:s9], $0x400  }
0x182: {  	[sflag:s9] =	ssyncset.done $0x0;
	s5 =	rddreg [dreg:$0x16]  }
0x183: {  	s6 =	rddreg [dreg:$0x9];
	[sflag:s9] =	ssyncadd.s32 $0xFFFFFC00;
	s7 =	sshrl.u32 s5, $0x3  }
0x184: {  	[hbm:s6], [sflag:s28] =	dma.local [spmem:s7], $0x400  }
0x185: {  	_ =	swait.ge [sflag:s9], $0x400  }
0x186: {  	[sflag:s9] =	ssyncset.done $0x0;
	s10 =	rddreg [dreg:$0x17]  }
0x187: {  	s11 =	rddreg [dreg:$0xa];
	[sflag:s9] =	ssyncadd.s32 $0xFFFFFC00;
	s7 =	sshrl.u32 s10, $0x3  }
0x188: {  	[hbm:s11], [sflag:s28] =	dma.local [spmem:s7], $0x400  }
0x189: {  	_ =	swait.ge [sflag:s9], $0x400  }
0x18a: {  	[sflag:s9] =	ssyncset.done $0x0;
	s12 =	rddreg [dreg:$0x18]  }
0x18b: {  	s15 =	rddreg [dreg:$0xb];
	[sflag:s9] =	ssyncadd.s32 $0xFFFFFC00;
	s7 =	sshrl.u32 s12, $0x3  }
0x18c: {  	[hbm:s15], [sflag:s28] =	dma.local [spmem:s7], $0x400  }
0x18d: {  	_ =	swait.ge [sflag:s9], $0x400  }
0x18e: {  	[sflag:s9] =	ssyncset.done $0x0;
	s17 =	rddreg [dreg:$0x19]  }
0x18f: {  	s2 =	rddreg [dreg:$0xc];
	[sflag:s9] =	ssyncadd.s32 $0xFFFFFC00;
	s7 =	sshrl.u32 s17, $0x3  }
0x190: {  	[hbm:s2], [sflag:s28] =	dma.local [spmem:s7], $0x400  }
0x191: {  	_ =	swait.ge [sflag:s9], $0x400  }
0x192: {  	[sflag:s9] =	ssyncset.done $0x0;
	s3 =	rddreg [dreg:$0x1a]  }
0x193: {  	s4 =	rddreg [dreg:$0xd];
	[sflag:s9] =	ssyncadd.s32 $0xFFFFFC00;
	s7 =	sshrl.u32 s3, $0x3  }
0x194: {  	[hbm:s4], [sflag:s28] =	dma.local [spmem:s7], $0x400  }
0x195: {  	_ =	swait.ge [sflag:s9], $0x400  }
0x196: {  	[sflag:s9] =	ssyncset.done $0x0;
	s17 =	rddreg [dreg:$0x1b]  }
0x197: {  	s6 =	rddreg [dreg:$0xe];
	[sflag:s9] =	ssyncadd.s32 $0xFFFFFC00;
	s5 =	sshrl.u32 s17, $0x3  }
0x198: {  	[hbm:s6], [sflag:s28] =	dma.local [spmem:s5], $0x400  }
0x199: {  	_ =	swait.ge [sflag:s9], $0x400  }
0x19a: {  	[sflag:s9] =	ssyncset.done $0x0;
	s10 =	rddreg [dreg:$0x1c]  }
0x19b: {  	s11 =	rddreg [dreg:$0xf];
	[sflag:s9] =	ssyncadd.s32 $0xFFFFFC00;
	s7 =	sshrl.u32 s10, $0x3  }
0x19c: {  	[hbm:s11], [sflag:s28] =	dma.local [spmem:s7], $0x400  }
0x19d: {  	_ =	swait.ge [sflag:s9], $0x400  }
0x19e: {  	s12 =	rddreg [dreg:$0x1f]  }
0x19f: {  	s15 =	rddreg [dreg:$0x1d];
	s2 =	sadd.s32 $0x1, s12  }
0x1a0: {  	p0 =	sne.s32 s2, s15  }
.Ltmp2:
0x1a1: {  	_ = 	snop;
	(pc) =	sbr.rel @p0 .LBB2_1-.Ltmp2, $3  }
0x1a2: {  	_ =	sdelay $0x1  }
0x1a3: {  	[sflag:s9] =	ssyncset.done $0x0  }
0x1a4: {  	s11 =	smov.u32 s0;
	[sflag:s9] =	ssyncadd.s32 $0xFFFFFC00;
	s12 =	simm.s32 $0x1A000  }
0x1a5: {  	_ =	sfence.sel $0x180000  }
0x1a6: {  	[bflag:$0x0] =	sbarrier.arrive $0xFFFF  }
0x1a7: {  	_ =	strace $0x9000004A  }
0x1a8: {  	s0 =	stileid.u32;
	[bflag:$0x2] =	sbarrier.arrive $0xFFFF  }
0x1a9: {  	p0 =	sne.s32 s0, $0x0;
	s0 =	rddreg [dreg:$0x4]  }
0x1aa: {  	s0 =	sadd.s32 @!p0 $0x100000, s0  }
0x1ab: {  	[sflag:s0] =	ssyncadd.tile.s32 @!p0 $0x1;
	_ =	shalt  }
.Lfunc_end2:
_tile_overlayer_lowered:
.L_overlay_start_2:
0x1ac: {  	(tag) =	ssettag $0x2  }
0x1ad: {  	s0 =	rddreg [dreg:$0x0];
	s2 =	stileid.u32  }
0x1ae: {  	s1 =	rddreg [dreg:$0x1];
	p0 =	sne.s32 s2, $0x0  }
0x1af: {  	s3 =	rddreg [dreg:$0x2];
	[bflag:$0x3] =	sbarrier.arrive $0xFFFF;
	s2 =	simm.s32 @!p0 $0x1C15  }
0x1b0: {  	[timem:s3], [sflag:s2] =	dma.local @!p0 [hbm:s0], s1  }
0x1b1: {  	s0 =	simm.s32 @!p0 $0x15  }
0x1b2: {  	_ =	swait.ge @!p0 [sflag:s0], s1  }
0x1b3: {  	s1 =	ssub.s32 @!p0 $0x0, s1;
	[sflag:s0] =	ssyncset.done @!p0 $0x0  }
0x1b4: {  	[sflag:s0] =	ssyncadd.s32 @!p0 s1  }
0x1b5: {  	[bflag:$0x3] =	sbarrier.arrive $0xFFFF  }
0x1b6: {  	_ =	shalt  }

</sc_bundles>
